<compile_context>
chip_gen: v7x
topology: tpu7x:2x2x1
jax: 0.10.2.dev20260603
libtpu: 0.0.44.dev20260713+nightly
codegen_flags: <defaults>
</compile_context>

<pallas_src>
import functools

import jax
import jax.numpy as jnp
from jax import lax
from jax.experimental import pallas as pl
from jax.experimental.pallas import tpu as pltpu
from jax.experimental.pallas import tpu_sc as plsc

N = 10000
E = 320000
D = 128
H = 128
G = 128
OUT = 10
EPS = 1e-5

NC = 2
NS = 16
NW = NC * NS
CH = 128
PT = 10112
NCHUNK = PT // CH
FAST_C = 0
NCF = 99
NCS = 58
NCMAX = NCF
EPAD = PT * NW
NPAD = 10112
ZR = NPAD // NS
DW = 128

@functools.cache
def _sc_kernels():
    mesh = plsc.VectorSubcoreMesh(core_axis_name="c", subcore_axis_name="s",
                                  num_cores=NC, num_subcores=NS)
    deg = functools.partial(
        pl.kernel,
        out_type=jax.ShapeDtypeStruct((NC, NPAD, DW), jnp.float32),
        mesh=mesh,
        scratch_types=[
            pltpu.VMEM((NCHUNK, CH), jnp.int32),
            pltpu.VMEM((CH, DW), jnp.float32),
            pltpu.VMEM_SHARED((NPAD, DW), jnp.float32),
        ],
    )(_sc_degree_body)
    agg = functools.partial(
        pl.kernel,
        out_type=jax.ShapeDtypeStruct((NC, NPAD, H), jnp.float32),
        mesh=mesh,
        scratch_types=[
            pltpu.VMEM((NCMAX, CH), jnp.int32),
            pltpu.VMEM((NCMAX, CH), jnp.int32),
            pltpu.VMEM((CH, H), jnp.float32),
            pltpu.VMEM_SHARED((NPAD, H), jnp.float32),
            pltpu.SemaphoreType.DMA,
        ],
    )(_sc_aggregate_body)
    return deg, agg


def _sc_degree_body(dst_hbm, ones_hbm, zeros_hbm, out_hbm, dst_v, ones_v, acc):
    c = lax.axis_index("c")
    s = lax.axis_index("s")
    wid = s * NC + c
    pltpu.sync_copy(dst_hbm.at[wid], dst_v)
    pltpu.sync_copy(ones_hbm, ones_v)
    pltpu.sync_copy(zeros_hbm.at[pl.ds(s * ZR, ZR)], acc.at[pl.ds(s * ZR, ZR)])
    plsc.subcore_barrier()

    def body(j, carry):
        pltpu.sync_copy(ones_v, acc.at[dst_v.at[j]], add=True)
        return carry

    lax.fori_loop(0, NCHUNK, body, 0)
    plsc.subcore_barrier()
    pltpu.sync_copy(acc.at[pl.ds(s * ZR, ZR)], out_hbm.at[c].at[pl.ds(s * ZR, ZR)])


def _sc_aggregate_body(y_hbm, src_hbm, dst_hbm, zeros_hbm, out_hbm,
                       src_v, dst_v, buf_a, acc, sem_a):
    c = lax.axis_index("c")
    s = lax.axis_index("s")
    wid = s * NC + c
    pltpu.sync_copy(src_hbm.at[wid], src_v)
    pltpu.sync_copy(dst_hbm.at[wid], dst_v)
    pltpu.sync_copy(zeros_hbm.at[pl.ds(s * ZR, ZR)], acc.at[pl.ds(s * ZR, ZR)])
    plsc.subcore_barrier()

    def body(k, carry):
        pltpu.async_copy(y_hbm.at[src_v.at[k]], buf_a, sem_a).wait()
        pltpu.sync_copy(buf_a, acc.at[dst_v.at[k]], add=True)
        return carry

    nchunks = jnp.where(c == FAST_C, NCF, NCS)
    lax.fori_loop(0, nchunks, body, 0)
    plsc.subcore_barrier()
    pltpu.sync_copy(acc.at[pl.ds(s * ZR, ZR)], out_hbm.at[c].at[pl.ds(s * ZR, ZR)])


def _tc_front_body(x_ref, win_ref, bin_ref, wc0_ref, degp_ref,
                   h0_ref, y0_ref, dinv_ref):
    degp = degp_ref[...]
    deg = degp[0, :N, 0] + degp[1, :N, 0] + 1.0
    dinv = lax.rsqrt(jnp.maximum(deg, 1.0))
    h0 = jnp.maximum(x_ref[...] @ win_ref[...] + bin_ref[...], 0.0)
    h0_ref[...] = h0
    y0_ref[...] = (h0 @ wc0_ref[...]) * dinv[:, None]
    dinv_ref[...] = dinv[:, None]


def _tc_layer_body(has_next, parts_ref, y_ref, h_ref, dinv_ref, b_ref,
                   g_ref, be_ref, batch_ref, wnext_ref,
                   hn_ref, pool_ref, ynext_ref):
    parts = parts_ref[...]
    dinv = dinv_ref[...]
    agg = (parts[0, :N] + parts[1, :N] + y_ref[...]) * dinv + b_ref[...]
    mu = jnp.mean(agg, axis=0, keepdims=True)
    var = jnp.mean((agg - mu) ** 2, axis=0, keepdims=True)
    hnew = (agg - mu) * lax.rsqrt(var + EPS) * g_ref[...] + be_ref[...]
    hnew = h_ref[...] + jnp.maximum(hnew, 0.0)
    hn_ref[...] = hnew
    seg = jnp.arange(G, dtype=jnp.int32)[:, None] == batch_ref[...]
    pool_ref[...] = jnp.dot(seg.astype(jnp.float32), hnew,
                            preferred_element_type=jnp.float32)
    if has_next:
        ynext_ref[...] = (hnew @ wnext_ref[...]) * dinv


def _tc_head_body(p0_ref, p1_ref, p2_ref, wjk_ref, bjk_ref, wh1_ref,
                  bh1_ref, wh2_ref, bh2_ref, out_ref):
    z = jnp.concatenate([p0_ref[...], p1_ref[...], p2_ref[...]], axis=1)
    z = jnp.maximum(z @ wjk_ref[...] + bjk_ref[...], 0.0)
    z = jnp.maximum(z @ wh1_ref[...] + bh1_ref[...], 0.0)
    out_ref[...] = z @ wh2_ref[...] + bh2_ref[...]


def _tc_call(body, out_shapes, *args):
    return pl.pallas_call(
        body,
        out_shape=out_shapes,
    )(*args)


def kernel(x, edge_index, batch, W_in, b_in, Wc0, bc0, g0, be0, Wc1, bc1,
           g1, be1, Wc2, bc2, g2, be2, W_jk, b_jk, Wh1, bh1, Wh2, bh2):
    f32 = jnp.float32
    pad = EPAD - E
    pad_dst = N + (jnp.arange(pad, dtype=jnp.int32) % (NPAD - N))
    dst_p = jnp.concatenate(
        [edge_index[1], pad_dst]).reshape(NW, NCHUNK, CH)

    EF = NCF * CH * NS
    pad2 = EF + NCS * CH * NS - E
    pad_dst2 = N + (jnp.arange(pad2, dtype=jnp.int32) % (NPAD - N))
    src_f = edge_index[0][:EF].reshape(NS, NCF, CH)
    dst_f = edge_index[1][:EF].reshape(NS, NCF, CH)
    src_s = jnp.concatenate(
        [edge_index[0][EF:], jnp.zeros((pad2,), jnp.int32)]).reshape(NS, NCS, CH)
    dst_s = jnp.concatenate(
        [edge_index[1][EF:], pad_dst2]).reshape(NS, NCS, CH)

    def _interleave(f, s_):
        s_ = jnp.pad(s_, ((0, 0), (0, NCMAX - NCS), (0, 0)))
        pair = (f, s_) if FAST_C == 0 else (s_, f)
        return jnp.stack(pair, axis=1).reshape(NW, NCMAX, CH)

    src_a = _interleave(src_f, src_s)
    dst_a = _interleave(dst_f, dst_s)
    zeros_h = jnp.zeros((NPAD, H), f32)
    ones_d = jnp.ones((CH, DW), f32)
    batch_row = batch.reshape(1, N)

    _sc_degree, _sc_aggregate = _sc_kernels()
    deg_parts = _sc_degree(dst_p, ones_d, zeros_h)
    h0, y0, dinv = _tc_call(
        _tc_front_body,
        (jax.ShapeDtypeStruct((N, H), f32),
         jax.ShapeDtypeStruct((N, H), f32),
         jax.ShapeDtypeStruct((N, 1), f32)),
        x, W_in, b_in.reshape(1, H), Wc0, deg_parts)

    convs = ((bc0, g0, be0, Wc1), (bc1, g1, be1, Wc2), (bc2, g2, be2, Wc2))
    h, y = h0, y0
    pools = []
    for li, (b, g, be, wnext) in enumerate(convs):
        parts = _sc_aggregate(y, src_a, dst_a, zeros_h)
        has_next = li < 2
        outs = _tc_call(
            functools.partial(_tc_layer_body, has_next),
            (jax.ShapeDtypeStruct((N, H), f32),
             jax.ShapeDtypeStruct((G, H), f32),
             jax.ShapeDtypeStruct((N, H), f32)),
            parts, y, h, dinv, b.reshape(1, H), g.reshape(1, H),
            be.reshape(1, H), batch_row, wnext)
        h, pool, y = outs
        pools.append(pool)

    out = _tc_call(
        _tc_head_body,
        jax.ShapeDtypeStruct((G, OUT), f32),
        pools[0], pools[1], pools[2], W_jk, b_jk.reshape(1, H),
        Wh1, bh1.reshape(1, H), Wh2, bh2.reshape(1, OUT))
    return out

# --- scband reference (transcript-rebuilt; emitter-appended) ---
"""Pipeline reference for scband-improved-gcn-44238163149264 (READ-ONLY COPY).

The authoritative reference and input builder live on the scoring server;
editing this copy changes nothing except your own understanding.
"""

import jax, jax.numpy as jnp
import numpy as np

N = 10000
E = 320000
D = 128
H = 128
G = 128
OUT = 10
EPS = 1e-5


def setup_inputs(seed: int = 0) -> dict:
    key = jax.random.key(seed)
    ks = jax.random.split(key, 16)
    s = 0.05
    inp = {}
    inp["x"] = jax.random.normal(ks[0], (N, D), dtype=jnp.float32)
    inp["edge_index"] = jax.random.randint(ks[1], (2, E), 0, N, dtype=jnp.int32)
    inp["batch"] = jnp.sort(jax.random.randint(ks[2], (N,), 0, G, dtype=jnp.int32))
    inp["W_in"] = jax.random.normal(ks[3], (D, H), dtype=jnp.float32) * s
    inp["b_in"] = jnp.zeros((H,), dtype=jnp.float32)
    for i in range(3):
        inp["Wc%d" % i] = jax.random.normal(ks[4 + i], (H, H), dtype=jnp.float32) * s
        inp["bc%d" % i] = jnp.zeros((H,), dtype=jnp.float32)
        inp["g%d" % i] = jnp.ones((H,), dtype=jnp.float32)
        inp["be%d" % i] = jnp.zeros((H,), dtype=jnp.float32)
    inp["W_jk"] = jax.random.normal(ks[7], (H * 3, H), dtype=jnp.float32) * s
    inp["b_jk"] = jnp.zeros((H,), dtype=jnp.float32)
    inp["Wh1"] = jax.random.normal(ks[8], (H, H), dtype=jnp.float32) * s
    inp["bh1"] = jnp.zeros((H,), dtype=jnp.float32)
    inp["Wh2"] = jax.random.normal(ks[9], (H, OUT), dtype=jnp.float32) * s
    inp["bh2"] = jnp.zeros((OUT,), dtype=jnp.float32)
    return inp


def _gcn_conv(x, src, dst, norm, W, b):
    xw = x @ W
    msg = xw[src] * norm[:, None]
    out = jnp.zeros_like(xw).at[dst].add(msg)
    return out + b


def _bn(x, g, b):
    mu = jnp.mean(x, axis=0)
    var = jnp.var(x, axis=0)
    return (x - mu) / jnp.sqrt(var + EPS) * g + b


def reference(x, edge_index, batch, W_in, b_in, Wc0, bc0, g0, be0, Wc1, bc1, g1, be1, Wc2, bc2, g2, be2, W_jk, b_jk, Wh1, bh1, Wh2, bh2):
    loop = jnp.arange(N, dtype=edge_index.dtype)
    src = jnp.concatenate([edge_index[0], loop])
    dst = jnp.concatenate([edge_index[1], loop])
    deg = jnp.zeros((N,), dtype=jnp.float32).at[dst].add(1.0)
    dinv = jax.lax.rsqrt(jnp.clip(deg, 1.0, None))
    norm = dinv[src] * dinv[dst]
    h = jax.nn.relu(x @ W_in + b_in)
    convs = [(Wc0, bc0, g0, be0), (Wc1, bc1, g1, be1), (Wc2, bc2, g2, be2)]
    pools = []
    for (W, b, g, be) in convs:
        h_new = _gcn_conv(h, src, dst, norm, W, b)
        h_new = jax.nn.relu(_bn(h_new, g, be))
        h = h + h_new
        pools.append(jax.ops.segment_sum(h, batch, num_segments=G))
    z = jnp.concatenate(pools, axis=-1)
    z = jax.nn.relu(z @ W_jk + b_jk)
    z = jax.nn.relu(z @ Wh1 + bh1)
    return z @ Wh2 + bh2

if __name__ == "__main__":
    import jax
    _d = setup_inputs()
    print(jax.jit(kernel)(*tuple(_d.values())))

</pallas_src>

<mosaic_0001>
#map = affine_map<(d0, d1) -> (0, 0)>
#map1 = affine_map<(d0, d1) -> (0, 0, 0)>
module attributes {stable_mosaic.version = 14 : i64} {
  func.func @_sc_aggregate_body(%arg0: i32, %arg1: i32, %arg2: memref<10000x128xf32, #tpu.memory_space<hbm>>, %arg3: memref<32x99x128xi32, #tpu.memory_space<hbm>>, %arg4: memref<32x99x128xi32, #tpu.memory_space<hbm>>, %arg5: memref<10112x128xf32, #tpu.memory_space<hbm>>, %arg6: memref<2x10112x128xf32, #tpu.memory_space<hbm>>, %arg7: memref<99x128xi32, #tpu.memory_space<vmem>>, %arg8: memref<99x128xi32, #tpu.memory_space<vmem>>, %arg9: memref<128x128xf32, #tpu.memory_space<vmem>>, %arg10: memref<10112x128xf32, #tpu.memory_space<vmem_shared>>, %arg11: memref<!tpu.dma_semaphore, #tpu.memory_space<semaphore_mem>>) attributes {dimension_semantics = [#tpu.dimension_semantics<core_parallel>, #tpu.dimension_semantics<subcore_parallel>], iteration_bounds = array<i64: 2, 16>, scalar_prefetch = 0 : i64, scratch_operands = 5 : i64, tpu.core_type = #tpu.core_type<sc_vector_subcore>, window_params = [{transform_indices = #map}, {transform_indices = #map1}, {transform_indices = #map1}, {transform_indices = #map}, {transform_indices = #map1}]} {
    %mul3A = arith.constant 2 : i32
    %mul3A_0 = arith.muli %arg1, %mul3A : i32
    %add3A = arith.addi %mul3A_0, %arg0 : i32
    "tpu.region"() ({
      %run_scoped3A = tpu.sem_alloc : memref<!tpu.dma_semaphore, #tpu.memory_space<semaphore_mem>>
      %dma_start3A = arith.constant 0 : i32
      %dma_start3A_21 = arith.constant 0 : i32
      %dma_start3A_22 = tpu.memref_slice %arg3[%add3A, %dma_start3A, %dma_start3A_21] : memref<32x99x128xi32, #tpu.memory_space<hbm>> -> memref<1x99x128xi32, #tpu.memory_space<hbm>>
      %dma_start3A_23 = tpu.memref_squeeze %dma_start3A_22 : memref<1x99x128xi32, #tpu.memory_space<hbm>> -> memref<99x128xi32, #tpu.memory_space<hbm>>
      %dma_start3A_24 = arith.constant 0 : i32
      %dma_start3A_25 = arith.constant 0 : i32
      %dma_start3A_26 = tpu.memref_slice %arg3[%add3A, %dma_start3A_24, %dma_start3A_25] : memref<32x99x128xi32, #tpu.memory_space<hbm>> -> memref<1x99x128xi32, #tpu.memory_space<hbm>>
      %dma_start3A_27 = tpu.memref_squeeze %dma_start3A_26 : memref<1x99x128xi32, #tpu.memory_space<hbm>> -> memref<99x128xi32, #tpu.memory_space<hbm>>
      tpu.enqueue_dma source(%dma_start3A_27 : memref<99x128xi32, #tpu.memory_space<hbm>>) target(%arg7 : memref<99x128xi32, #tpu.memory_space<vmem>>) target_semaphore(%run_scoped3A : memref<!tpu.dma_semaphore, #tpu.memory_space<semaphore_mem>>)
      %dma_wait3A = arith.constant 0 : i32
      %dma_wait3A_28 = arith.constant 0 : i32
      %dma_wait3A_29 = tpu.memref_slice %arg3[%add3A, %dma_wait3A, %dma_wait3A_28] : memref<32x99x128xi32, #tpu.memory_space<hbm>> -> memref<1x99x128xi32, #tpu.memory_space<hbm>>
      %dma_wait3A_30 = tpu.memref_squeeze %dma_wait3A_29 : memref<1x99x128xi32, #tpu.memory_space<hbm>> -> memref<99x128xi32, #tpu.memory_space<hbm>>
      %dma_wait3A_31 = arith.constant 0 : i32
      %dma_wait3A_32 = arith.constant 0 : i32
      %dma_wait3A_33 = tpu.memref_slice %arg3[%add3A, %dma_wait3A_31, %dma_wait3A_32] : memref<32x99x128xi32, #tpu.memory_space<hbm>> -> memref<1x99x128xi32, #tpu.memory_space<hbm>>
      %dma_wait3A_34 = tpu.memref_squeeze %dma_wait3A_33 : memref<1x99x128xi32, #tpu.memory_space<hbm>> -> memref<99x128xi32, #tpu.memory_space<hbm>>
      tpu.wait_dma2 semaphore(%run_scoped3A : memref<!tpu.dma_semaphore, #tpu.memory_space<semaphore_mem>>) src(%dma_wait3A_34 : memref<99x128xi32, #tpu.memory_space<hbm>>) dst(%arg7 : memref<99x128xi32, #tpu.memory_space<vmem>>)
      tpu.yield
    }) : () -> ()
    "tpu.region"() ({
      %run_scoped3A = tpu.sem_alloc : memref<!tpu.dma_semaphore, #tpu.memory_space<semaphore_mem>>
      %dma_start3A = arith.constant 0 : i32
      %dma_start3A_21 = arith.constant 0 : i32
      %dma_start3A_22 = tpu.memref_slice %arg4[%add3A, %dma_start3A, %dma_start3A_21] : memref<32x99x128xi32, #tpu.memory_space<hbm>> -> memref<1x99x128xi32, #tpu.memory_space<hbm>>
      %dma_start3A_23 = tpu.memref_squeeze %dma_start3A_22 : memref<1x99x128xi32, #tpu.memory_space<hbm>> -> memref<99x128xi32, #tpu.memory_space<hbm>>
      %dma_start3A_24 = arith.constant 0 : i32
      %dma_start3A_25 = arith.constant 0 : i32
      %dma_start3A_26 = tpu.memref_slice %arg4[%add3A, %dma_start3A_24, %dma_start3A_25] : memref<32x99x128xi32, #tpu.memory_space<hbm>> -> memref<1x99x128xi32, #tpu.memory_space<hbm>>
      %dma_start3A_27 = tpu.memref_squeeze %dma_start3A_26 : memref<1x99x128xi32, #tpu.memory_space<hbm>> -> memref<99x128xi32, #tpu.memory_space<hbm>>
      tpu.enqueue_dma source(%dma_start3A_27 : memref<99x128xi32, #tpu.memory_space<hbm>>) target(%arg8 : memref<99x128xi32, #tpu.memory_space<vmem>>) target_semaphore(%run_scoped3A : memref<!tpu.dma_semaphore, #tpu.memory_space<semaphore_mem>>)
      %dma_wait3A = arith.constant 0 : i32
      %dma_wait3A_28 = arith.constant 0 : i32
      %dma_wait3A_29 = tpu.memref_slice %arg4[%add3A, %dma_wait3A, %dma_wait3A_28] : memref<32x99x128xi32, #tpu.memory_space<hbm>> -> memref<1x99x128xi32, #tpu.memory_space<hbm>>
      %dma_wait3A_30 = tpu.memref_squeeze %dma_wait3A_29 : memref<1x99x128xi32, #tpu.memory_space<hbm>> -> memref<99x128xi32, #tpu.memory_space<hbm>>
      %dma_wait3A_31 = arith.constant 0 : i32
      %dma_wait3A_32 = arith.constant 0 : i32
      %dma_wait3A_33 = tpu.memref_slice %arg4[%add3A, %dma_wait3A_31, %dma_wait3A_32] : memref<32x99x128xi32, #tpu.memory_space<hbm>> -> memref<1x99x128xi32, #tpu.memory_space<hbm>>
      %dma_wait3A_34 = tpu.memref_squeeze %dma_wait3A_33 : memref<1x99x128xi32, #tpu.memory_space<hbm>> -> memref<99x128xi32, #tpu.memory_space<hbm>>
      tpu.wait_dma2 semaphore(%run_scoped3A : memref<!tpu.dma_semaphore, #tpu.memory_space<semaphore_mem>>) src(%dma_wait3A_34 : memref<99x128xi32, #tpu.memory_space<hbm>>) dst(%arg8 : memref<99x128xi32, #tpu.memory_space<vmem>>)
      tpu.yield
    }) : () -> ()
    %mul3A_1 = arith.constant 632 : i32
    %mul3A_2 = arith.muli %arg1, %mul3A_1 : i32
    %mul3A_3 = arith.constant 632 : i32
    %mul3A_4 = arith.muli %arg1, %mul3A_3 : i32
    "tpu.region"() ({
      %run_scoped3A = tpu.sem_alloc : memref<!tpu.dma_semaphore, #tpu.memory_space<semaphore_mem>>
      %dma_start3A = arith.constant 0 : i32
      %dma_start3A_21 = tpu.memref_slice %arg10[%mul3A_4, %dma_start3A] : memref<10112x128xf32, #tpu.memory_space<vmem_shared>> -> memref<632x128xf32, #tpu.memory_space<vmem_shared>>
      %dma_start3A_22 = arith.constant 0 : i32
      %dma_start3A_23 = tpu.memref_slice %arg5[%mul3A_2, %dma_start3A_22] : memref<10112x128xf32, #tpu.memory_space<hbm>> -> memref<632x128xf32, #tpu.memory_space<hbm>>
      tpu.enqueue_dma source(%dma_start3A_23 : memref<632x128xf32, #tpu.memory_space<hbm>>) target(%dma_start3A_21 : memref<632x128xf32, #tpu.memory_space<vmem_shared>>) target_semaphore(%run_scoped3A : memref<!tpu.dma_semaphore, #tpu.memory_space<semaphore_mem>>)
      %dma_wait3A = arith.constant 0 : i32
      %dma_wait3A_24 = tpu.memref_slice %arg10[%mul3A_4, %dma_wait3A] : memref<10112x128xf32, #tpu.memory_space<vmem_shared>> -> memref<632x128xf32, #tpu.memory_space<vmem_shared>>
      %dma_wait3A_25 = arith.constant 0 : i32
      %dma_wait3A_26 = tpu.memref_slice %arg5[%mul3A_2, %dma_wait3A_25] : memref<10112x128xf32, #tpu.memory_space<hbm>> -> memref<632x128xf32, #tpu.memory_space<hbm>>
      tpu.wait_dma2 semaphore(%run_scoped3A : memref<!tpu.dma_semaphore, #tpu.memory_space<semaphore_mem>>) src(%dma_wait3A_26 : memref<632x128xf32, #tpu.memory_space<hbm>>) dst(%dma_wait3A_24 : memref<632x128xf32, #tpu.memory_space<vmem_shared>>)
      tpu.yield
    }) : () -> ()
    %barrier3A = arith.constant 0 : index
    tpu.barrier barrier_id(%barrier3A)
    %eq3A = arith.constant 0 : i32
    %eq3A_5 = arith.cmpi eq, %arg0, %eq3A : i32
    %jit3A = arith.constant 99 : i32
    %jit3A_6 = arith.constant 58 : i32
    %select_n3A = arith.select %eq3A_5, %jit3A, %jit3A_6 : i32
    %while3A = arith.constant 0 : i32
    %while3A_7 = arith.constant 0 : i32
    %while3A_8 = arith.subi %select_n3A, %while3A_7 : i32
    %while3A_9 = arith.addi %while3A_7, %while3A_8 : i32
    %while3A_10 = arith.constant 1 : i32
    %while3A_11 = arith.divsi %while3A_8, %while3A_10 : i32
    %while3A_12 = arith.muli %while3A_11, %while3A_10 : i32
    %while3A_13 = arith.addi %while3A_7, %while3A_12 : i32
    %while3A_14 = arith.constant 1 : i32
    scf.for %while3A_21 = %while3A_7 to %while3A_13 step %while3A_14  : i32 {
      %dma_start3A = arith.constant 0 : i32
      %dma_start3A_22 = tpu.memref_slice %arg7[%while3A_21, %dma_start3A] : memref<99x128xi32, #tpu.memory_space<vmem>> -> memref<1x128xi32, #tpu.memory_space<vmem>>
      %dma_start3A_23 = tpu.memref_squeeze %dma_start3A_22 : memref<1x128xi32, #tpu.memory_space<vmem>> -> memref<128xi32, #tpu.memory_space<vmem>>
      %dma_start3A_24 = arith.constant 0 : i32
      %dma_start3A_25 = arith.constant 0 : i32
      %dma_start3A_26 = tpu.memref_slice %arg2[%dma_start3A_24, %dma_start3A_25] : memref<10000x128xf32, #tpu.memory_space<hbm>> -> memref<10000x128xf32, #tpu.memory_space<hbm>>
      tpu.enqueue_indirect_dma source(%dma_start3A_26 : memref<10000x128xf32, #tpu.memory_space<hbm>>) target(%arg9 : memref<128x128xf32, #tpu.memory_space<vmem>>) offsets(%dma_start3A_23 : memref<128xi32, #tpu.memory_space<vmem>>) semaphore(%arg11 : memref<!tpu.dma_semaphore, #tpu.memory_space<semaphore_mem>>)
      %dma_wait3A = arith.constant 0 : i32
      %dma_wait3A_27 = tpu.memref_slice %arg7[%while3A_21, %dma_wait3A] : memref<99x128xi32, #tpu.memory_space<vmem>> -> memref<1x128xi32, #tpu.memory_space<vmem>>
      %dma_wait3A_28 = tpu.memref_squeeze %dma_wait3A_27 : memref<1x128xi32, #tpu.memory_space<vmem>> -> memref<128xi32, #tpu.memory_space<vmem>>
      %dma_wait3A_29 = arith.constant 0 : i32
      %dma_wait3A_30 = arith.constant 0 : i32
      %dma_wait3A_31 = tpu.memref_slice %arg2[%dma_wait3A_29, %dma_wait3A_30] : memref<10000x128xf32, #tpu.memory_space<hbm>> -> memref<10000x128xf32, #tpu.memory_space<hbm>>
      tpu.wait_indirect_dma semaphore(%arg11 : memref<!tpu.dma_semaphore, #tpu.memory_space<semaphore_mem>>) src(%dma_wait3A_31 : memref<10000x128xf32, #tpu.memory_space<hbm>>) dst(%arg9 : memref<128x128xf32, #tpu.memory_space<vmem>>)
      "tpu.region"() ({
        %run_scoped3A = tpu.sem_alloc : memref<!tpu.dma_semaphore, #tpu.memory_space<semaphore_mem>>
        %dma_start3A_32 = arith.constant 0 : i32
        %dma_start3A_33 = tpu.memref_slice %arg8[%while3A_21, %dma_start3A_32] : memref<99x128xi32, #tpu.memory_space<vmem>> -> memref<1x128xi32, #tpu.memory_space<vmem>>
        %dma_start3A_34 = tpu.memref_squeeze %dma_start3A_33 : memref<1x128xi32, #tpu.memory_space<vmem>> -> memref<128xi32, #tpu.memory_space<vmem>>
        %dma_start3A_35 = arith.constant 0 : i32
        %dma_start3A_36 = arith.constant 0 : i32
        %dma_start3A_37 = tpu.memref_slice %arg10[%dma_start3A_35, %dma_start3A_36] : memref<10112x128xf32, #tpu.memory_space<vmem_shared>> -> memref<10112x128xf32, #tpu.memory_space<vmem_shared>>
        tpu.enqueue_indirect_dma source(%arg9 : memref<128x128xf32, #tpu.memory_space<vmem>>) target(%dma_start3A_37 : memref<10112x128xf32, #tpu.memory_space<vmem_shared>>) offsets(%dma_start3A_34 : memref<128xi32, #tpu.memory_space<vmem>>) semaphore(%run_scoped3A : memref<!tpu.dma_semaphore, #tpu.memory_space<semaphore_mem>>) {add = true}
        %dma_wait3A_38 = arith.constant 0 : i32
        %dma_wait3A_39 = tpu.memref_slice %arg8[%while3A_21, %dma_wait3A_38] : memref<99x128xi32, #tpu.memory_space<vmem>> -> memref<1x128xi32, #tpu.memory_space<vmem>>
        %dma_wait3A_40 = tpu.memref_squeeze %dma_wait3A_39 : memref<1x128xi32, #tpu.memory_space<vmem>> -> memref<128xi32, #tpu.memory_space<vmem>>
        %dma_wait3A_41 = arith.constant 0 : i32
        %dma_wait3A_42 = arith.constant 0 : i32
        %dma_wait3A_43 = tpu.memref_slice %arg10[%dma_wait3A_41, %dma_wait3A_42] : memref<10112x128xf32, #tpu.memory_space<vmem_shared>> -> memref<10112x128xf32, #tpu.memory_space<vmem_shared>>
        tpu.wait_indirect_dma semaphore(%run_scoped3A : memref<!tpu.dma_semaphore, #tpu.memory_space<semaphore_mem>>) src(%arg9 : memref<128x128xf32, #tpu.memory_space<vmem>>) dst(%dma_wait3A_43 : memref<10112x128xf32, #tpu.memory_space<vmem_shared>>)
        tpu.yield
      }) : () -> ()
    }
    %while3A_15 = arith.constant 1 : i32
    scf.for %while3A_21 = %while3A_13 to %while3A_9 step %while3A_15  : i32 {
      %dma_start3A = arith.constant 0 : i32
      %dma_start3A_22 = tpu.memref_slice %arg7[%while3A_21, %dma_start3A] : memref<99x128xi32, #tpu.memory_space<vmem>> -> memref<1x128xi32, #tpu.memory_space<vmem>>
      %dma_start3A_23 = tpu.memref_squeeze %dma_start3A_22 : memref<1x128xi32, #tpu.memory_space<vmem>> -> memref<128xi32, #tpu.memory_space<vmem>>
      %dma_start3A_24 = arith.constant 0 : i32
      %dma_start3A_25 = arith.constant 0 : i32
      %dma_start3A_26 = tpu.memref_slice %arg2[%dma_start3A_24, %dma_start3A_25] : memref<10000x128xf32, #tpu.memory_space<hbm>> -> memref<10000x128xf32, #tpu.memory_space<hbm>>
      tpu.enqueue_indirect_dma source(%dma_start3A_26 : memref<10000x128xf32, #tpu.memory_space<hbm>>) target(%arg9 : memref<128x128xf32, #tpu.memory_space<vmem>>) offsets(%dma_start3A_23 : memref<128xi32, #tpu.memory_space<vmem>>) semaphore(%arg11 : memref<!tpu.dma_semaphore, #tpu.memory_space<semaphore_mem>>)
      %dma_wait3A = arith.constant 0 : i32
      %dma_wait3A_27 = tpu.memref_slice %arg7[%while3A_21, %dma_wait3A] : memref<99x128xi32, #tpu.memory_space<vmem>> -> memref<1x128xi32, #tpu.memory_space<vmem>>
      %dma_wait3A_28 = tpu.memref_squeeze %dma_wait3A_27 : memref<1x128xi32, #tpu.memory_space<vmem>> -> memref<128xi32, #tpu.memory_space<vmem>>
      %dma_wait3A_29 = arith.constant 0 : i32
      %dma_wait3A_30 = arith.constant 0 : i32
      %dma_wait3A_31 = tpu.memref_slice %arg2[%dma_wait3A_29, %dma_wait3A_30] : memref<10000x128xf32, #tpu.memory_space<hbm>> -> memref<10000x128xf32, #tpu.memory_space<hbm>>
      tpu.wait_indirect_dma semaphore(%arg11 : memref<!tpu.dma_semaphore, #tpu.memory_space<semaphore_mem>>) src(%dma_wait3A_31 : memref<10000x128xf32, #tpu.memory_space<hbm>>) dst(%arg9 : memref<128x128xf32, #tpu.memory_space<vmem>>)
      "tpu.region"() ({
        %run_scoped3A = tpu.sem_alloc : memref<!tpu.dma_semaphore, #tpu.memory_space<semaphore_mem>>
        %dma_start3A_32 = arith.constant 0 : i32
        %dma_start3A_33 = tpu.memref_slice %arg8[%while3A_21, %dma_start3A_32] : memref<99x128xi32, #tpu.memory_space<vmem>> -> memref<1x128xi32, #tpu.memory_space<vmem>>
        %dma_start3A_34 = tpu.memref_squeeze %dma_start3A_33 : memref<1x128xi32, #tpu.memory_space<vmem>> -> memref<128xi32, #tpu.memory_space<vmem>>
        %dma_start3A_35 = arith.constant 0 : i32
        %dma_start3A_36 = arith.constant 0 : i32
        %dma_start3A_37 = tpu.memref_slice %arg10[%dma_start3A_35, %dma_start3A_36] : memref<10112x128xf32, #tpu.memory_space<vmem_shared>> -> memref<10112x128xf32, #tpu.memory_space<vmem_shared>>
        tpu.enqueue_indirect_dma source(%arg9 : memref<128x128xf32, #tpu.memory_space<vmem>>) target(%dma_start3A_37 : memref<10112x128xf32, #tpu.memory_space<vmem_shared>>) offsets(%dma_start3A_34 : memref<128xi32, #tpu.memory_space<vmem>>) semaphore(%run_scoped3A : memref<!tpu.dma_semaphore, #tpu.memory_space<semaphore_mem>>) {add = true}
        %dma_wait3A_38 = arith.constant 0 : i32
        %dma_wait3A_39 = tpu.memref_slice %arg8[%while3A_21, %dma_wait3A_38] : memref<99x128xi32, #tpu.memory_space<vmem>> -> memref<1x128xi32, #tpu.memory_space<vmem>>
        %dma_wait3A_40 = tpu.memref_squeeze %dma_wait3A_39 : memref<1x128xi32, #tpu.memory_space<vmem>> -> memref<128xi32, #tpu.memory_space<vmem>>
        %dma_wait3A_41 = arith.constant 0 : i32
        %dma_wait3A_42 = arith.constant 0 : i32
        %dma_wait3A_43 = tpu.memref_slice %arg10[%dma_wait3A_41, %dma_wait3A_42] : memref<10112x128xf32, #tpu.memory_space<vmem_shared>> -> memref<10112x128xf32, #tpu.memory_space<vmem_shared>>
        tpu.wait_indirect_dma semaphore(%run_scoped3A : memref<!tpu.dma_semaphore, #tpu.memory_space<semaphore_mem>>) src(%arg9 : memref<128x128xf32, #tpu.memory_space<vmem>>) dst(%dma_wait3A_43 : memref<10112x128xf32, #tpu.memory_space<vmem_shared>>)
        tpu.yield
      }) : () -> ()
    }
    %barrier3A_16 = arith.constant 0 : index
    tpu.barrier barrier_id(%barrier3A_16)
    %mul3A_17 = arith.constant 632 : i32
    %mul3A_18 = arith.muli %arg1, %mul3A_17 : i32
    %mul3A_19 = arith.constant 632 : i32
    %mul3A_20 = arith.muli %arg1, %mul3A_19 : i32
    "tpu.region"() ({
      %run_scoped3A = tpu.sem_alloc : memref<!tpu.dma_semaphore, #tpu.memory_space<semaphore_mem>>
      %dma_start3A = arith.constant 0 : i32
      %dma_start3A_21 = arith.constant 0 : i32
      %dma_start3A_22 = tpu.memref_slice %arg6[%arg0, %dma_start3A, %dma_start3A_21] : memref<2x10112x128xf32, #tpu.memory_space<hbm>> -> memref<1x10112x128xf32, #tpu.memory_space<hbm>>
      %dma_start3A_23 = tpu.memref_squeeze %dma_start3A_22 : memref<1x10112x128xf32, #tpu.memory_space<hbm>> -> memref<10112x128xf32, #tpu.memory_space<hbm>>
      %dma_start3A_24 = arith.constant 0 : i32
      %dma_start3A_25 = tpu.memref_slice %dma_start3A_23[%mul3A_20, %dma_start3A_24] : memref<10112x128xf32, #tpu.memory_space<hbm>> -> memref<632x128xf32, #tpu.memory_space<hbm>>
      %dma_start3A_26 = arith.constant 0 : i32
      %dma_start3A_27 = tpu.memref_slice %arg10[%mul3A_18, %dma_start3A_26] : memref<10112x128xf32, #tpu.memory_space<vmem_shared>> -> memref<632x128xf32, #tpu.memory_space<vmem_shared>>
      tpu.enqueue_dma source(%dma_start3A_27 : memref<632x128xf32, #tpu.memory_space<vmem_shared>>) target(%dma_start3A_25 : memref<632x128xf32, #tpu.memory_space<hbm>>) target_semaphore(%run_scoped3A : memref<!tpu.dma_semaphore, #tpu.memory_space<semaphore_mem>>)
      %dma_wait3A = arith.constant 0 : i32
      %dma_wait3A_28 = arith.constant 0 : i32
      %dma_wait3A_29 = tpu.memref_slice %arg6[%arg0, %dma_wait3A, %dma_wait3A_28] : memref<2x10112x128xf32, #tpu.memory_space<hbm>> -> memref<1x10112x128xf32, #tpu.memory_space<hbm>>
      %dma_wait3A_30 = tpu.memref_squeeze %dma_wait3A_29 : memref<1x10112x128xf32, #tpu.memory_space<hbm>> -> memref<10112x128xf32, #tpu.memory_space<hbm>>
      %dma_wait3A_31 = arith.constant 0 : i32
      %dma_wait3A_32 = tpu.memref_slice %dma_wait3A_30[%mul3A_20, %dma_wait3A_31] : memref<10112x128xf32, #tpu.memory_space<hbm>> -> memref<632x128xf32, #tpu.memory_space<hbm>>
      %dma_wait3A_33 = arith.constant 0 : i32
      %dma_wait3A_34 = tpu.memref_slice %arg10[%mul3A_18, %dma_wait3A_33] : memref<10112x128xf32, #tpu.memory_space<vmem_shared>> -> memref<632x128xf32, #tpu.memory_space<vmem_shared>>
      tpu.wait_dma2 semaphore(%run_scoped3A : memref<!tpu.dma_semaphore, #tpu.memory_space<semaphore_mem>>) src(%dma_wait3A_34 : memref<632x128xf32, #tpu.memory_space<vmem_shared>>) dst(%dma_wait3A_32 : memref<632x128xf32, #tpu.memory_space<hbm>>)
      tpu.yield
    }) : () -> ()
    return
  }
}

#map = affine_map<(d0, d1) -> (0, 0, 0)>
#map1 = affine_map<(d0, d1) -> (0, 0)>
module attributes {stable_mosaic.version = 14 : i64} {
  func.func @_sc_degree_body(%arg0: i32, %arg1: i32, %arg2: memref<32x79x128xi32, #tpu.memory_space<hbm>>, %arg3: memref<128x128xf32, #tpu.memory_space<hbm>>, %arg4: memref<10112x128xf32, #tpu.memory_space<hbm>>, %arg5: memref<2x10112x128xf32, #tpu.memory_space<hbm>>, %arg6: memref<79x128xi32, #tpu.memory_space<vmem>>, %arg7: memref<128x128xf32, #tpu.memory_space<vmem>>, %arg8: memref<10112x128xf32, #tpu.memory_space<vmem_shared>>) attributes {dimension_semantics = [#tpu.dimension_semantics<core_parallel>, #tpu.dimension_semantics<subcore_parallel>], iteration_bounds = array<i64: 2, 16>, scalar_prefetch = 0 : i64, scratch_operands = 3 : i64, tpu.core_type = #tpu.core_type<sc_vector_subcore>, window_params = [{transform_indices = #map}, {transform_indices = #map1}, {transform_indices = #map1}, {transform_indices = #map}]} {
    %mul3A = arith.constant 2 : i32
    %mul3A_0 = arith.muli %arg1, %mul3A : i32
    %add3A = arith.addi %mul3A_0, %arg0 : i32
    "tpu.region"() ({
      %run_scoped3A = tpu.sem_alloc : memref<!tpu.dma_semaphore, #tpu.memory_space<semaphore_mem>>
      %dma_start3A = arith.constant 0 : i32
      %dma_start3A_15 = arith.constant 0 : i32
      %dma_start3A_16 = tpu.memref_slice %arg2[%add3A, %dma_start3A, %dma_start3A_15] : memref<32x79x128xi32, #tpu.memory_space<hbm>> -> memref<1x79x128xi32, #tpu.memory_space<hbm>>
      %dma_start3A_17 = tpu.memref_squeeze %dma_start3A_16 : memref<1x79x128xi32, #tpu.memory_space<hbm>> -> memref<79x128xi32, #tpu.memory_space<hbm>>
      %dma_start3A_18 = arith.constant 0 : i32
      %dma_start3A_19 = arith.constant 0 : i32
      %dma_start3A_20 = tpu.memref_slice %arg2[%add3A, %dma_start3A_18, %dma_start3A_19] : memref<32x79x128xi32, #tpu.memory_space<hbm>> -> memref<1x79x128xi32, #tpu.memory_space<hbm>>
      %dma_start3A_21 = tpu.memref_squeeze %dma_start3A_20 : memref<1x79x128xi32, #tpu.memory_space<hbm>> -> memref<79x128xi32, #tpu.memory_space<hbm>>
      tpu.enqueue_dma source(%dma_start3A_21 : memref<79x128xi32, #tpu.memory_space<hbm>>) target(%arg6 : memref<79x128xi32, #tpu.memory_space<vmem>>) target_semaphore(%run_scoped3A : memref<!tpu.dma_semaphore, #tpu.memory_space<semaphore_mem>>)
      %dma_wait3A = arith.constant 0 : i32
      %dma_wait3A_22 = arith.constant 0 : i32
      %dma_wait3A_23 = tpu.memref_slice %arg2[%add3A, %dma_wait3A, %dma_wait3A_22] : memref<32x79x128xi32, #tpu.memory_space<hbm>> -> memref<1x79x128xi32, #tpu.memory_space<hbm>>
      %dma_wait3A_24 = tpu.memref_squeeze %dma_wait3A_23 : memref<1x79x128xi32, #tpu.memory_space<hbm>> -> memref<79x128xi32, #tpu.memory_space<hbm>>
      %dma_wait3A_25 = arith.constant 0 : i32
      %dma_wait3A_26 = arith.constant 0 : i32
      %dma_wait3A_27 = tpu.memref_slice %arg2[%add3A, %dma_wait3A_25, %dma_wait3A_26] : memref<32x79x128xi32, #tpu.memory_space<hbm>> -> memref<1x79x128xi32, #tpu.memory_space<hbm>>
      %dma_wait3A_28 = tpu.memref_squeeze %dma_wait3A_27 : memref<1x79x128xi32, #tpu.memory_space<hbm>> -> memref<79x128xi32, #tpu.memory_space<hbm>>
      tpu.wait_dma2 semaphore(%run_scoped3A : memref<!tpu.dma_semaphore, #tpu.memory_space<semaphore_mem>>) src(%dma_wait3A_28 : memref<79x128xi32, #tpu.memory_space<hbm>>) dst(%arg6 : memref<79x128xi32, #tpu.memory_space<vmem>>)
      tpu.yield
    }) : () -> ()
    "tpu.region"() ({
      %run_scoped3A = tpu.sem_alloc : memref<!tpu.dma_semaphore, #tpu.memory_space<semaphore_mem>>
      tpu.enqueue_dma source(%arg3 : memref<128x128xf32, #tpu.memory_space<hbm>>) target(%arg7 : memref<128x128xf32, #tpu.memory_space<vmem>>) target_semaphore(%run_scoped3A : memref<!tpu.dma_semaphore, #tpu.memory_space<semaphore_mem>>)
      tpu.wait_dma2 semaphore(%run_scoped3A : memref<!tpu.dma_semaphore, #tpu.memory_space<semaphore_mem>>) src(%arg3 : memref<128x128xf32, #tpu.memory_space<hbm>>) dst(%arg7 : memref<128x128xf32, #tpu.memory_space<vmem>>)
      tpu.yield
    }) : () -> ()
    %mul3A_1 = arith.constant 632 : i32
    %mul3A_2 = arith.muli %arg1, %mul3A_1 : i32
    %mul3A_3 = arith.constant 632 : i32
    %mul3A_4 = arith.muli %arg1, %mul3A_3 : i32
    "tpu.region"() ({
      %run_scoped3A = tpu.sem_alloc : memref<!tpu.dma_semaphore, #tpu.memory_space<semaphore_mem>>
      %dma_start3A = arith.constant 0 : i32
      %dma_start3A_15 = tpu.memref_slice %arg8[%mul3A_4, %dma_start3A] : memref<10112x128xf32, #tpu.memory_space<vmem_shared>> -> memref<632x128xf32, #tpu.memory_space<vmem_shared>>
      %dma_start3A_16 = arith.constant 0 : i32
      %dma_start3A_17 = tpu.memref_slice %arg4[%mul3A_2, %dma_start3A_16] : memref<10112x128xf32, #tpu.memory_space<hbm>> -> memref<632x128xf32, #tpu.memory_space<hbm>>
      tpu.enqueue_dma source(%dma_start3A_17 : memref<632x128xf32, #tpu.memory_space<hbm>>) target(%dma_start3A_15 : memref<632x128xf32, #tpu.memory_space<vmem_shared>>) target_semaphore(%run_scoped3A : memref<!tpu.dma_semaphore, #tpu.memory_space<semaphore_mem>>)
      %dma_wait3A = arith.constant 0 : i32
      %dma_wait3A_18 = tpu.memref_slice %arg8[%mul3A_4, %dma_wait3A] : memref<10112x128xf32, #tpu.memory_space<vmem_shared>> -> memref<632x128xf32, #tpu.memory_space<vmem_shared>>
      %dma_wait3A_19 = arith.constant 0 : i32
      %dma_wait3A_20 = tpu.memref_slice %arg4[%mul3A_2, %dma_wait3A_19] : memref<10112x128xf32, #tpu.memory_space<hbm>> -> memref<632x128xf32, #tpu.memory_space<hbm>>
      tpu.wait_dma2 semaphore(%run_scoped3A : memref<!tpu.dma_semaphore, #tpu.memory_space<semaphore_mem>>) src(%dma_wait3A_20 : memref<632x128xf32, #tpu.memory_space<hbm>>) dst(%dma_wait3A_18 : memref<632x128xf32, #tpu.memory_space<vmem_shared>>)
      tpu.yield
    }) : () -> ()
    %barrier3A = arith.constant 0 : index
    tpu.barrier barrier_id(%barrier3A)
    %scan3A = arith.constant 0 : i32
    %scan3A_5 = arith.constant 0 : i32
    %scan3A_6 = arith.constant 79 : i32
    %scan3A_7 = arith.addi %scan3A_5, %scan3A_6 : i32
    %scan3A_8 = arith.constant 1 : i32
    scf.for %scan3A_15 = %scan3A_5 to %scan3A_7 step %scan3A_8  : i32 {
      "tpu.region"() ({
        %run_scoped3A = tpu.sem_alloc : memref<!tpu.dma_semaphore, #tpu.memory_space<semaphore_mem>>
        %dma_start3A = arith.constant 0 : i32
        %dma_start3A_16 = tpu.memref_slice %arg6[%scan3A_15, %dma_start3A] : memref<79x128xi32, #tpu.memory_space<vmem>> -> memref<1x128xi32, #tpu.memory_space<vmem>>
        %dma_start3A_17 = tpu.memref_squeeze %dma_start3A_16 : memref<1x128xi32, #tpu.memory_space<vmem>> -> memref<128xi32, #tpu.memory_space<vmem>>
        %dma_start3A_18 = arith.constant 0 : i32
        %dma_start3A_19 = arith.constant 0 : i32
        %dma_start3A_20 = tpu.memref_slice %arg8[%dma_start3A_18, %dma_start3A_19] : memref<10112x128xf32, #tpu.memory_space<vmem_shared>> -> memref<10112x128xf32, #tpu.memory_space<vmem_shared>>
        tpu.enqueue_indirect_dma source(%arg7 : memref<128x128xf32, #tpu.memory_space<vmem>>) target(%dma_start3A_20 : memref<10112x128xf32, #tpu.memory_space<vmem_shared>>) offsets(%dma_start3A_17 : memref<128xi32, #tpu.memory_space<vmem>>) semaphore(%run_scoped3A : memref<!tpu.dma_semaphore, #tpu.memory_space<semaphore_mem>>) {add = true}
        %dma_wait3A = arith.constant 0 : i32
        %dma_wait3A_21 = tpu.memref_slice %arg6[%scan3A_15, %dma_wait3A] : memref<79x128xi32, #tpu.memory_space<vmem>> -> memref<1x128xi32, #tpu.memory_space<vmem>>
        %dma_wait3A_22 = tpu.memref_squeeze %dma_wait3A_21 : memref<1x128xi32, #tpu.memory_space<vmem>> -> memref<128xi32, #tpu.memory_space<vmem>>
        %dma_wait3A_23 = arith.constant 0 : i32
        %dma_wait3A_24 = arith.constant 0 : i32
        %dma_wait3A_25 = tpu.memref_slice %arg8[%dma_wait3A_23, %dma_wait3A_24] : memref<10112x128xf32, #tpu.memory_space<vmem_shared>> -> memref<10112x128xf32, #tpu.memory_space<vmem_shared>>
        tpu.wait_indirect_dma semaphore(%run_scoped3A : memref<!tpu.dma_semaphore, #tpu.memory_space<semaphore_mem>>) src(%arg7 : memref<128x128xf32, #tpu.memory_space<vmem>>) dst(%dma_wait3A_25 : memref<10112x128xf32, #tpu.memory_space<vmem_shared>>)
        tpu.yield
      }) : () -> ()
    }
    %scan3A_9 = arith.constant 79 : i32
    %barrier3A_10 = arith.constant 0 : index
    tpu.barrier barrier_id(%barrier3A_10)
    %mul3A_11 = arith.constant 632 : i32
    %mul3A_12 = arith.muli %arg1, %mul3A_11 : i32
    %mul3A_13 = arith.constant 632 : i32
    %mul3A_14 = arith.muli %arg1, %mul3A_13 : i32
    "tpu.region"() ({
      %run_scoped3A = tpu.sem_alloc : memref<!tpu.dma_semaphore, #tpu.memory_space<semaphore_mem>>
      %dma_start3A = arith.constant 0 : i32
      %dma_start3A_15 = arith.constant 0 : i32
      %dma_start3A_16 = tpu.memref_slice %arg5[%arg0, %dma_start3A, %dma_start3A_15] : memref<2x10112x128xf32, #tpu.memory_space<hbm>> -> memref<1x10112x128xf32, #tpu.memory_space<hbm>>
      %dma_start3A_17 = tpu.memref_squeeze %dma_start3A_16 : memref<1x10112x128xf32, #tpu.memory_space<hbm>> -> memref<10112x128xf32, #tpu.memory_space<hbm>>
      %dma_start3A_18 = arith.constant 0 : i32
      %dma_start3A_19 = tpu.memref_slice %dma_start3A_17[%mul3A_14, %dma_start3A_18] : memref<10112x128xf32, #tpu.memory_space<hbm>> -> memref<632x128xf32, #tpu.memory_space<hbm>>
      %dma_start3A_20 = arith.constant 0 : i32
      %dma_start3A_21 = tpu.memref_slice %arg8[%mul3A_12, %dma_start3A_20] : memref<10112x128xf32, #tpu.memory_space<vmem_shared>> -> memref<632x128xf32, #tpu.memory_space<vmem_shared>>
      tpu.enqueue_dma source(%dma_start3A_21 : memref<632x128xf32, #tpu.memory_space<vmem_shared>>) target(%dma_start3A_19 : memref<632x128xf32, #tpu.memory_space<hbm>>) target_semaphore(%run_scoped3A : memref<!tpu.dma_semaphore, #tpu.memory_space<semaphore_mem>>)
      %dma_wait3A = arith.constant 0 : i32
      %dma_wait3A_22 = arith.constant 0 : i32
      %dma_wait3A_23 = tpu.memref_slice %arg5[%arg0, %dma_wait3A, %dma_wait3A_22] : memref<2x10112x128xf32, #tpu.memory_space<hbm>> -> memref<1x10112x128xf32, #tpu.memory_space<hbm>>
      %dma_wait3A_24 = tpu.memref_squeeze %dma_wait3A_23 : memref<1x10112x128xf32, #tpu.memory_space<hbm>> -> memref<10112x128xf32, #tpu.memory_space<hbm>>
      %dma_wait3A_25 = arith.constant 0 : i32
      %dma_wait3A_26 = tpu.memref_slice %dma_wait3A_24[%mul3A_14, %dma_wait3A_25] : memref<10112x128xf32, #tpu.memory_space<hbm>> -> memref<632x128xf32, #tpu.memory_space<hbm>>
      %dma_wait3A_27 = arith.constant 0 : i32
      %dma_wait3A_28 = tpu.memref_slice %arg8[%mul3A_12, %dma_wait3A_27] : memref<10112x128xf32, #tpu.memory_space<vmem_shared>> -> memref<632x128xf32, #tpu.memory_space<vmem_shared>>
      tpu.wait_dma2 semaphore(%run_scoped3A : memref<!tpu.dma_semaphore, #tpu.memory_space<semaphore_mem>>) src(%dma_wait3A_28 : memref<632x128xf32, #tpu.memory_space<vmem_shared>>) dst(%dma_wait3A_26 : memref<632x128xf32, #tpu.memory_space<hbm>>)
      tpu.yield
    }) : () -> ()
    return
  }
}

#map = affine_map<(d0, d1) -> (0, 0)>
#map1 = affine_map<(d0, d1) -> (0, 0, 0)>
module attributes {stable_mosaic.version = 14 : i64} {
  func.func @_sc_aggregate_body(%arg0: i32, %arg1: i32, %arg2: memref<10000x128xf32, #tpu.memory_space<hbm>>, %arg3: memref<32x99x128xi32, #tpu.memory_space<hbm>>, %arg4: memref<32x99x128xi32, #tpu.memory_space<hbm>>, %arg5: memref<10112x128xf32, #tpu.memory_space<hbm>>, %arg6: memref<2x10112x128xf32, #tpu.memory_space<hbm>>, %arg7: memref<99x128xi32, #tpu.memory_space<vmem>>, %arg8: memref<99x128xi32, #tpu.memory_space<vmem>>, %arg9: memref<128x128xf32, #tpu.memory_space<vmem>>, %arg10: memref<10112x128xf32, #tpu.memory_space<vmem_shared>>, %arg11: memref<!tpu.dma_semaphore, #tpu.memory_space<semaphore_mem>>) attributes {dimension_semantics = [#tpu.dimension_semantics<core_parallel>, #tpu.dimension_semantics<subcore_parallel>], iteration_bounds = array<i64: 2, 16>, scalar_prefetch = 0 : i64, scratch_operands = 5 : i64, tpu.core_type = #tpu.core_type<sc_vector_subcore>, window_params = [{transform_indices = #map}, {transform_indices = #map1}, {transform_indices = #map1}, {transform_indices = #map}, {transform_indices = #map1}]} {
    %mul3A = arith.constant 2 : i32
    %mul3A_0 = arith.muli %arg1, %mul3A : i32
    %add3A = arith.addi %mul3A_0, %arg0 : i32
    "tpu.region"() ({
      %run_scoped3A = tpu.sem_alloc : memref<!tpu.dma_semaphore, #tpu.memory_space<semaphore_mem>>
      %dma_start3A = arith.constant 0 : i32
      %dma_start3A_21 = arith.constant 0 : i32
      %dma_start3A_22 = tpu.memref_slice %arg3[%add3A, %dma_start3A, %dma_start3A_21] : memref<32x99x128xi32, #tpu.memory_space<hbm>> -> memref<1x99x128xi32, #tpu.memory_space<hbm>>
      %dma_start3A_23 = tpu.memref_squeeze %dma_start3A_22 : memref<1x99x128xi32, #tpu.memory_space<hbm>> -> memref<99x128xi32, #tpu.memory_space<hbm>>
      %dma_start3A_24 = arith.constant 0 : i32
      %dma_start3A_25 = arith.constant 0 : i32
      %dma_start3A_26 = tpu.memref_slice %arg3[%add3A, %dma_start3A_24, %dma_start3A_25] : memref<32x99x128xi32, #tpu.memory_space<hbm>> -> memref<1x99x128xi32, #tpu.memory_space<hbm>>
      %dma_start3A_27 = tpu.memref_squeeze %dma_start3A_26 : memref<1x99x128xi32, #tpu.memory_space<hbm>> -> memref<99x128xi32, #tpu.memory_space<hbm>>
      tpu.enqueue_dma source(%dma_start3A_27 : memref<99x128xi32, #tpu.memory_space<hbm>>) target(%arg7 : memref<99x128xi32, #tpu.memory_space<vmem>>) target_semaphore(%run_scoped3A : memref<!tpu.dma_semaphore, #tpu.memory_space<semaphore_mem>>)
      %dma_wait3A = arith.constant 0 : i32
      %dma_wait3A_28 = arith.constant 0 : i32
      %dma_wait3A_29 = tpu.memref_slice %arg3[%add3A, %dma_wait3A, %dma_wait3A_28] : memref<32x99x128xi32, #tpu.memory_space<hbm>> -> memref<1x99x128xi32, #tpu.memory_space<hbm>>
      %dma_wait3A_30 = tpu.memref_squeeze %dma_wait3A_29 : memref<1x99x128xi32, #tpu.memory_space<hbm>> -> memref<99x128xi32, #tpu.memory_space<hbm>>
      %dma_wait3A_31 = arith.constant 0 : i32
      %dma_wait3A_32 = arith.constant 0 : i32
      %dma_wait3A_33 = tpu.memref_slice %arg3[%add3A, %dma_wait3A_31, %dma_wait3A_32] : memref<32x99x128xi32, #tpu.memory_space<hbm>> -> memref<1x99x128xi32, #tpu.memory_space<hbm>>
      %dma_wait3A_34 = tpu.memref_squeeze %dma_wait3A_33 : memref<1x99x128xi32, #tpu.memory_space<hbm>> -> memref<99x128xi32, #tpu.memory_space<hbm>>
      tpu.wait_dma2 semaphore(%run_scoped3A : memref<!tpu.dma_semaphore, #tpu.memory_space<semaphore_mem>>) src(%dma_wait3A_34 : memref<99x128xi32, #tpu.memory_space<hbm>>) dst(%arg7 : memref<99x128xi32, #tpu.memory_space<vmem>>)
      tpu.yield
    }) : () -> ()
    "tpu.region"() ({
      %run_scoped3A = tpu.sem_alloc : memref<!tpu.dma_semaphore, #tpu.memory_space<semaphore_mem>>
      %dma_start3A = arith.constant 0 : i32
      %dma_start3A_21 = arith.constant 0 : i32
      %dma_start3A_22 = tpu.memref_slice %arg4[%add3A, %dma_start3A, %dma_start3A_21] : memref<32x99x128xi32, #tpu.memory_space<hbm>> -> memref<1x99x128xi32, #tpu.memory_space<hbm>>
      %dma_start3A_23 = tpu.memref_squeeze %dma_start3A_22 : memref<1x99x128xi32, #tpu.memory_space<hbm>> -> memref<99x128xi32, #tpu.memory_space<hbm>>
      %dma_start3A_24 = arith.constant 0 : i32
      %dma_start3A_25 = arith.constant 0 : i32
      %dma_start3A_26 = tpu.memref_slice %arg4[%add3A, %dma_start3A_24, %dma_start3A_25] : memref<32x99x128xi32, #tpu.memory_space<hbm>> -> memref<1x99x128xi32, #tpu.memory_space<hbm>>
      %dma_start3A_27 = tpu.memref_squeeze %dma_start3A_26 : memref<1x99x128xi32, #tpu.memory_space<hbm>> -> memref<99x128xi32, #tpu.memory_space<hbm>>
      tpu.enqueue_dma source(%dma_start3A_27 : memref<99x128xi32, #tpu.memory_space<hbm>>) target(%arg8 : memref<99x128xi32, #tpu.memory_space<vmem>>) target_semaphore(%run_scoped3A : memref<!tpu.dma_semaphore, #tpu.memory_space<semaphore_mem>>)
      %dma_wait3A = arith.constant 0 : i32
      %dma_wait3A_28 = arith.constant 0 : i32
      %dma_wait3A_29 = tpu.memref_slice %arg4[%add3A, %dma_wait3A, %dma_wait3A_28] : memref<32x99x128xi32, #tpu.memory_space<hbm>> -> memref<1x99x128xi32, #tpu.memory_space<hbm>>
      %dma_wait3A_30 = tpu.memref_squeeze %dma_wait3A_29 : memref<1x99x128xi32, #tpu.memory_space<hbm>> -> memref<99x128xi32, #tpu.memory_space<hbm>>
      %dma_wait3A_31 = arith.constant 0 : i32
      %dma_wait3A_32 = arith.constant 0 : i32
      %dma_wait3A_33 = tpu.memref_slice %arg4[%add3A, %dma_wait3A_31, %dma_wait3A_32] : memref<32x99x128xi32, #tpu.memory_space<hbm>> -> memref<1x99x128xi32, #tpu.memory_space<hbm>>
      %dma_wait3A_34 = tpu.memref_squeeze %dma_wait3A_33 : memref<1x99x128xi32, #tpu.memory_space<hbm>> -> memref<99x128xi32, #tpu.memory_space<hbm>>
      tpu.wait_dma2 semaphore(%run_scoped3A : memref<!tpu.dma_semaphore, #tpu.memory_space<semaphore_mem>>) src(%dma_wait3A_34 : memref<99x128xi32, #tpu.memory_space<hbm>>) dst(%arg8 : memref<99x128xi32, #tpu.memory_space<vmem>>)
      tpu.yield
    }) : () -> ()
    %mul3A_1 = arith.constant 632 : i32
    %mul3A_2 = arith.muli %arg1, %mul3A_1 : i32
    %mul3A_3 = arith.constant 632 : i32
    %mul3A_4 = arith.muli %arg1, %mul3A_3 : i32
    "tpu.region"() ({
      %run_scoped3A = tpu.sem_alloc : memref<!tpu.dma_semaphore, #tpu.memory_space<semaphore_mem>>
      %dma_start3A = arith.constant 0 : i32
      %dma_start3A_21 = tpu.memref_slice %arg10[%mul3A_4, %dma_start3A] : memref<10112x128xf32, #tpu.memory_space<vmem_shared>> -> memref<632x128xf32, #tpu.memory_space<vmem_shared>>
      %dma_start3A_22 = arith.constant 0 : i32
      %dma_start3A_23 = tpu.memref_slice %arg5[%mul3A_2, %dma_start3A_22] : memref<10112x128xf32, #tpu.memory_space<hbm>> -> memref<632x128xf32, #tpu.memory_space<hbm>>
      tpu.enqueue_dma source(%dma_start3A_23 : memref<632x128xf32, #tpu.memory_space<hbm>>) target(%dma_start3A_21 : memref<632x128xf32, #tpu.memory_space<vmem_shared>>) target_semaphore(%run_scoped3A : memref<!tpu.dma_semaphore, #tpu.memory_space<semaphore_mem>>)
      %dma_wait3A = arith.constant 0 : i32
      %dma_wait3A_24 = tpu.memref_slice %arg10[%mul3A_4, %dma_wait3A] : memref<10112x128xf32, #tpu.memory_space<vmem_shared>> -> memref<632x128xf32, #tpu.memory_space<vmem_shared>>
      %dma_wait3A_25 = arith.constant 0 : i32
      %dma_wait3A_26 = tpu.memref_slice %arg5[%mul3A_2, %dma_wait3A_25] : memref<10112x128xf32, #tpu.memory_space<hbm>> -> memref<632x128xf32, #tpu.memory_space<hbm>>
      tpu.wait_dma2 semaphore(%run_scoped3A : memref<!tpu.dma_semaphore, #tpu.memory_space<semaphore_mem>>) src(%dma_wait3A_26 : memref<632x128xf32, #tpu.memory_space<hbm>>) dst(%dma_wait3A_24 : memref<632x128xf32, #tpu.memory_space<vmem_shared>>)
      tpu.yield
    }) : () -> ()
    %barrier3A = arith.constant 0 : index
    tpu.barrier barrier_id(%barrier3A)
    %eq3A = arith.constant 0 : i32
    %eq3A_5 = arith.cmpi eq, %arg0, %eq3A : i32
    %jit3A = arith.constant 99 : i32
    %jit3A_6 = arith.constant 58 : i32
    %select_n3A = arith.select %eq3A_5, %jit3A, %jit3A_6 : i32
    %while3A = arith.constant 0 : i32
    %while3A_7 = arith.constant 0 : i32
    %while3A_8 = arith.subi %select_n3A, %while3A_7 : i32
    %while3A_9 = arith.addi %while3A_7, %while3A_8 : i32
    %while3A_10 = arith.constant 1 : i32
    %while3A_11 = arith.divsi %while3A_8, %while3A_10 : i32
    %while3A_12 = arith.muli %while3A_11, %while3A_10 : i32
    %while3A_13 = arith.addi %while3A_7, %while3A_12 : i32
    %while3A_14 = arith.constant 1 : i32
    scf.for %while3A_21 = %while3A_7 to %while3A_13 step %while3A_14  : i32 {
      %dma_start3A = arith.constant 0 : i32
      %dma_start3A_22 = tpu.memref_slice %arg7[%while3A_21, %dma_start3A] : memref<99x128xi32, #tpu.memory_space<vmem>> -> memref<1x128xi32, #tpu.memory_space<vmem>>
      %dma_start3A_23 = tpu.memref_squeeze %dma_start3A_22 : memref<1x128xi32, #tpu.memory_space<vmem>> -> memref<128xi32, #tpu.memory_space<vmem>>
      %dma_start3A_24 = arith.constant 0 : i32
      %dma_start3A_25 = arith.constant 0 : i32
      %dma_start3A_26 = tpu.memref_slice %arg2[%dma_start3A_24, %dma_start3A_25] : memref<10000x128xf32, #tpu.memory_space<hbm>> -> memref<10000x128xf32, #tpu.memory_space<hbm>>
      tpu.enqueue_indirect_dma source(%dma_start3A_26 : memref<10000x128xf32, #tpu.memory_space<hbm>>) target(%arg9 : memref<128x128xf32, #tpu.memory_space<vmem>>) offsets(%dma_start3A_23 : memref<128xi32, #tpu.memory_space<vmem>>) semaphore(%arg11 : memref<!tpu.dma_semaphore, #tpu.memory_space<semaphore_mem>>)
      %dma_wait3A = arith.constant 0 : i32
      %dma_wait3A_27 = tpu.memref_slice %arg7[%while3A_21, %dma_wait3A] : memref<99x128xi32, #tpu.memory_space<vmem>> -> memref<1x128xi32, #tpu.memory_space<vmem>>
      %dma_wait3A_28 = tpu.memref_squeeze %dma_wait3A_27 : memref<1x128xi32, #tpu.memory_space<vmem>> -> memref<128xi32, #tpu.memory_space<vmem>>
      %dma_wait3A_29 = arith.constant 0 : i32
      %dma_wait3A_30 = arith.constant 0 : i32
      %dma_wait3A_31 = tpu.memref_slice %arg2[%dma_wait3A_29, %dma_wait3A_30] : memref<10000x128xf32, #tpu.memory_space<hbm>> -> memref<10000x128xf32, #tpu.memory_space<hbm>>
      tpu.wait_indirect_dma semaphore(%arg11 : memref<!tpu.dma_semaphore, #tpu.memory_space<semaphore_mem>>) src(%dma_wait3A_31 : memref<10000x128xf32, #tpu.memory_space<hbm>>) dst(%arg9 : memref<128x128xf32, #tpu.memory_space<vmem>>)
      "tpu.region"() ({
        %run_scoped3A = tpu.sem_alloc : memref<!tpu.dma_semaphore, #tpu.memory_space<semaphore_mem>>
        %dma_start3A_32 = arith.constant 0 : i32
        %dma_start3A_33 = tpu.memref_slice %arg8[%while3A_21, %dma_start3A_32] : memref<99x128xi32, #tpu.memory_space<vmem>> -> memref<1x128xi32, #tpu.memory_space<vmem>>
        %dma_start3A_34 = tpu.memref_squeeze %dma_start3A_33 : memref<1x128xi32, #tpu.memory_space<vmem>> -> memref<128xi32, #tpu.memory_space<vmem>>
        %dma_start3A_35 = arith.constant 0 : i32
        %dma_start3A_36 = arith.constant 0 : i32
        %dma_start3A_37 = tpu.memref_slice %arg10[%dma_start3A_35, %dma_start3A_36] : memref<10112x128xf32, #tpu.memory_space<vmem_shared>> -> memref<10112x128xf32, #tpu.memory_space<vmem_shared>>
        tpu.enqueue_indirect_dma source(%arg9 : memref<128x128xf32, #tpu.memory_space<vmem>>) target(%dma_start3A_37 : memref<10112x128xf32, #tpu.memory_space<vmem_shared>>) offsets(%dma_start3A_34 : memref<128xi32, #tpu.memory_space<vmem>>) semaphore(%run_scoped3A : memref<!tpu.dma_semaphore, #tpu.memory_space<semaphore_mem>>) {add = true}
        %dma_wait3A_38 = arith.constant 0 : i32
        %dma_wait3A_39 = tpu.memref_slice %arg8[%while3A_21, %dma_wait3A_38] : memref<99x128xi32, #tpu.memory_space<vmem>> -> memref<1x128xi32, #tpu.memory_space<vmem>>
        %dma_wait3A_40 = tpu.memref_squeeze %dma_wait3A_39 : memref<1x128xi32, #tpu.memory_space<vmem>> -> memref<128xi32, #tpu.memory_space<vmem>>
        %dma_wait3A_41 = arith.constant 0 : i32
        %dma_wait3A_42 = arith.constant 0 : i32
        %dma_wait3A_43 = tpu.memref_slice %arg10[%dma_wait3A_41, %dma_wait3A_42] : memref<10112x128xf32, #tpu.memory_space<vmem_shared>> -> memref<10112x128xf32, #tpu.memory_space<vmem_shared>>
        tpu.wait_indirect_dma semaphore(%run_scoped3A : memref<!tpu.dma_semaphore, #tpu.memory_space<semaphore_mem>>) src(%arg9 : memref<128x128xf32, #tpu.memory_space<vmem>>) dst(%dma_wait3A_43 : memref<10112x128xf32, #tpu.memory_space<vmem_shared>>)
        tpu.yield
      }) : () -> ()
    }
    %while3A_15 = arith.constant 1 : i32
    scf.for %while3A_21 = %while3A_13 to %while3A_9 step %while3A_15  : i32 {
      %dma_start3A = arith.constant 0 : i32
      %dma_start3A_22 = tpu.memref_slice %arg7[%while3A_21, %dma_start3A] : memref<99x128xi32, #tpu.memory_space<vmem>> -> memref<1x128xi32, #tpu.memory_space<vmem>>
      %dma_start3A_23 = tpu.memref_squeeze %dma_start3A_22 : memref<1x128xi32, #tpu.memory_space<vmem>> -> memref<128xi32, #tpu.memory_space<vmem>>
      %dma_start3A_24 = arith.constant 0 : i32
      %dma_start3A_25 = arith.constant 0 : i32
      %dma_start3A_26 = tpu.memref_slice %arg2[%dma_start3A_24, %dma_start3A_25] : memref<10000x128xf32, #tpu.memory_space<hbm>> -> memref<10000x128xf32, #tpu.memory_space<hbm>>
      tpu.enqueue_indirect_dma source(%dma_start3A_26 : memref<10000x128xf32, #tpu.memory_space<hbm>>) target(%arg9 : memref<128x128xf32, #tpu.memory_space<vmem>>) offsets(%dma_start3A_23 : memref<128xi32, #tpu.memory_space<vmem>>) semaphore(%arg11 : memref<!tpu.dma_semaphore, #tpu.memory_space<semaphore_mem>>)
      %dma_wait3A = arith.constant 0 : i32
      %dma_wait3A_27 = tpu.memref_slice %arg7[%while3A_21, %dma_wait3A] : memref<99x128xi32, #tpu.memory_space<vmem>> -> memref<1x128xi32, #tpu.memory_space<vmem>>
      %dma_wait3A_28 = tpu.memref_squeeze %dma_wait3A_27 : memref<1x128xi32, #tpu.memory_space<vmem>> -> memref<128xi32, #tpu.memory_space<vmem>>
      %dma_wait3A_29 = arith.constant 0 : i32
      %dma_wait3A_30 = arith.constant 0 : i32
      %dma_wait3A_31 = tpu.memref_slice %arg2[%dma_wait3A_29, %dma_wait3A_30] : memref<10000x128xf32, #tpu.memory_space<hbm>> -> memref<10000x128xf32, #tpu.memory_space<hbm>>
      tpu.wait_indirect_dma semaphore(%arg11 : memref<!tpu.dma_semaphore, #tpu.memory_space<semaphore_mem>>) src(%dma_wait3A_31 : memref<10000x128xf32, #tpu.memory_space<hbm>>) dst(%arg9 : memref<128x128xf32, #tpu.memory_space<vmem>>)
      "tpu.region"() ({
        %run_scoped3A = tpu.sem_alloc : memref<!tpu.dma_semaphore, #tpu.memory_space<semaphore_mem>>
        %dma_start3A_32 = arith.constant 0 : i32
        %dma_start3A_33 = tpu.memref_slice %arg8[%while3A_21, %dma_start3A_32] : memref<99x128xi32, #tpu.memory_space<vmem>> -> memref<1x128xi32, #tpu.memory_space<vmem>>
        %dma_start3A_34 = tpu.memref_squeeze %dma_start3A_33 : memref<1x128xi32, #tpu.memory_space<vmem>> -> memref<128xi32, #tpu.memory_space<vmem>>
        %dma_start3A_35 = arith.constant 0 : i32
        %dma_start3A_36 = arith.constant 0 : i32
        %dma_start3A_37 = tpu.memref_slice %arg10[%dma_start3A_35, %dma_start3A_36] : memref<10112x128xf32, #tpu.memory_space<vmem_shared>> -> memref<10112x128xf32, #tpu.memory_space<vmem_shared>>
        tpu.enqueue_indirect_dma source(%arg9 : memref<128x128xf32, #tpu.memory_space<vmem>>) target(%dma_start3A_37 : memref<10112x128xf32, #tpu.memory_space<vmem_shared>>) offsets(%dma_start3A_34 : memref<128xi32, #tpu.memory_space<vmem>>) semaphore(%run_scoped3A : memref<!tpu.dma_semaphore, #tpu.memory_space<semaphore_mem>>) {add = true}
        %dma_wait3A_38 = arith.constant 0 : i32
        %dma_wait3A_39 = tpu.memref_slice %arg8[%while3A_21, %dma_wait3A_38] : memref<99x128xi32, #tpu.memory_space<vmem>> -> memref<1x128xi32, #tpu.memory_space<vmem>>
        %dma_wait3A_40 = tpu.memref_squeeze %dma_wait3A_39 : memref<1x128xi32, #tpu.memory_space<vmem>> -> memref<128xi32, #tpu.memory_space<vmem>>
        %dma_wait3A_41 = arith.constant 0 : i32
        %dma_wait3A_42 = arith.constant 0 : i32
        %dma_wait3A_43 = tpu.memref_slice %arg10[%dma_wait3A_41, %dma_wait3A_42] : memref<10112x128xf32, #tpu.memory_space<vmem_shared>> -> memref<10112x128xf32, #tpu.memory_space<vmem_shared>>
        tpu.wait_indirect_dma semaphore(%run_scoped3A : memref<!tpu.dma_semaphore, #tpu.memory_space<semaphore_mem>>) src(%arg9 : memref<128x128xf32, #tpu.memory_space<vmem>>) dst(%dma_wait3A_43 : memref<10112x128xf32, #tpu.memory_space<vmem_shared>>)
        tpu.yield
      }) : () -> ()
    }
    %barrier3A_16 = arith.constant 0 : index
    tpu.barrier barrier_id(%barrier3A_16)
    %mul3A_17 = arith.constant 632 : i32
    %mul3A_18 = arith.muli %arg1, %mul3A_17 : i32
    %mul3A_19 = arith.constant 632 : i32
    %mul3A_20 = arith.muli %arg1, %mul3A_19 : i32
    "tpu.region"() ({
      %run_scoped3A = tpu.sem_alloc : memref<!tpu.dma_semaphore, #tpu.memory_space<semaphore_mem>>
      %dma_start3A = arith.constant 0 : i32
      %dma_start3A_21 = arith.constant 0 : i32
      %dma_start3A_22 = tpu.memref_slice %arg6[%arg0, %dma_start3A, %dma_start3A_21] : memref<2x10112x128xf32, #tpu.memory_space<hbm>> -> memref<1x10112x128xf32, #tpu.memory_space<hbm>>
      %dma_start3A_23 = tpu.memref_squeeze %dma_start3A_22 : memref<1x10112x128xf32, #tpu.memory_space<hbm>> -> memref<10112x128xf32, #tpu.memory_space<hbm>>
      %dma_start3A_24 = arith.constant 0 : i32
      %dma_start3A_25 = tpu.memref_slice %dma_start3A_23[%mul3A_20, %dma_start3A_24] : memref<10112x128xf32, #tpu.memory_space<hbm>> -> memref<632x128xf32, #tpu.memory_space<hbm>>
      %dma_start3A_26 = arith.constant 0 : i32
      %dma_start3A_27 = tpu.memref_slice %arg10[%mul3A_18, %dma_start3A_26] : memref<10112x128xf32, #tpu.memory_space<vmem_shared>> -> memref<632x128xf32, #tpu.memory_space<vmem_shared>>
      tpu.enqueue_dma source(%dma_start3A_27 : memref<632x128xf32, #tpu.memory_space<vmem_shared>>) target(%dma_start3A_25 : memref<632x128xf32, #tpu.memory_space<hbm>>) target_semaphore(%run_scoped3A : memref<!tpu.dma_semaphore, #tpu.memory_space<semaphore_mem>>)
      %dma_wait3A = arith.constant 0 : i32
      %dma_wait3A_28 = arith.constant 0 : i32
      %dma_wait3A_29 = tpu.memref_slice %arg6[%arg0, %dma_wait3A, %dma_wait3A_28] : memref<2x10112x128xf32, #tpu.memory_space<hbm>> -> memref<1x10112x128xf32, #tpu.memory_space<hbm>>
      %dma_wait3A_30 = tpu.memref_squeeze %dma_wait3A_29 : memref<1x10112x128xf32, #tpu.memory_space<hbm>> -> memref<10112x128xf32, #tpu.memory_space<hbm>>
      %dma_wait3A_31 = arith.constant 0 : i32
      %dma_wait3A_32 = tpu.memref_slice %dma_wait3A_30[%mul3A_20, %dma_wait3A_31] : memref<10112x128xf32, #tpu.memory_space<hbm>> -> memref<632x128xf32, #tpu.memory_space<hbm>>
      %dma_wait3A_33 = arith.constant 0 : i32
      %dma_wait3A_34 = tpu.memref_slice %arg10[%mul3A_18, %dma_wait3A_33] : memref<10112x128xf32, #tpu.memory_space<vmem_shared>> -> memref<632x128xf32, #tpu.memory_space<vmem_shared>>
      tpu.wait_dma2 semaphore(%run_scoped3A : memref<!tpu.dma_semaphore, #tpu.memory_space<semaphore_mem>>) src(%dma_wait3A_34 : memref<632x128xf32, #tpu.memory_space<vmem_shared>>) dst(%dma_wait3A_32 : memref<632x128xf32, #tpu.memory_space<hbm>>)
      tpu.yield
    }) : () -> ()
    return
  }
}

#map = affine_map<(d0, d1) -> (0, 0)>
#map1 = affine_map<(d0, d1) -> (0, 0, 0)>
module attributes {stable_mosaic.version = 14 : i64} {
  func.func @_sc_aggregate_body(%arg0: i32, %arg1: i32, %arg2: memref<10000x128xf32, #tpu.memory_space<hbm>>, %arg3: memref<32x99x128xi32, #tpu.memory_space<hbm>>, %arg4: memref<32x99x128xi32, #tpu.memory_space<hbm>>, %arg5: memref<10112x128xf32, #tpu.memory_space<hbm>>, %arg6: memref<2x10112x128xf32, #tpu.memory_space<hbm>>, %arg7: memref<99x128xi32, #tpu.memory_space<vmem>>, %arg8: memref<99x128xi32, #tpu.memory_space<vmem>>, %arg9: memref<128x128xf32, #tpu.memory_space<vmem>>, %arg10: memref<10112x128xf32, #tpu.memory_space<vmem_shared>>, %arg11: memref<!tpu.dma_semaphore, #tpu.memory_space<semaphore_mem>>) attributes {dimension_semantics = [#tpu.dimension_semantics<core_parallel>, #tpu.dimension_semantics<subcore_parallel>], iteration_bounds = array<i64: 2, 16>, scalar_prefetch = 0 : i64, scratch_operands = 5 : i64, tpu.core_type = #tpu.core_type<sc_vector_subcore>, window_params = [{transform_indices = #map}, {transform_indices = #map1}, {transform_indices = #map1}, {transform_indices = #map}, {transform_indices = #map1}]} {
    %mul3A = arith.constant 2 : i32
    %mul3A_0 = arith.muli %arg1, %mul3A : i32
    %add3A = arith.addi %mul3A_0, %arg0 : i32
    "tpu.region"() ({
      %run_scoped3A = tpu.sem_alloc : memref<!tpu.dma_semaphore, #tpu.memory_space<semaphore_mem>>
      %dma_start3A = arith.constant 0 : i32
      %dma_start3A_21 = arith.constant 0 : i32
      %dma_start3A_22 = tpu.memref_slice %arg3[%add3A, %dma_start3A, %dma_start3A_21] : memref<32x99x128xi32, #tpu.memory_space<hbm>> -> memref<1x99x128xi32, #tpu.memory_space<hbm>>
      %dma_start3A_23 = tpu.memref_squeeze %dma_start3A_22 : memref<1x99x128xi32, #tpu.memory_space<hbm>> -> memref<99x128xi32, #tpu.memory_space<hbm>>
      %dma_start3A_24 = arith.constant 0 : i32
      %dma_start3A_25 = arith.constant 0 : i32
      %dma_start3A_26 = tpu.memref_slice %arg3[%add3A, %dma_start3A_24, %dma_start3A_25] : memref<32x99x128xi32, #tpu.memory_space<hbm>> -> memref<1x99x128xi32, #tpu.memory_space<hbm>>
      %dma_start3A_27 = tpu.memref_squeeze %dma_start3A_26 : memref<1x99x128xi32, #tpu.memory_space<hbm>> -> memref<99x128xi32, #tpu.memory_space<hbm>>
      tpu.enqueue_dma source(%dma_start3A_27 : memref<99x128xi32, #tpu.memory_space<hbm>>) target(%arg7 : memref<99x128xi32, #tpu.memory_space<vmem>>) target_semaphore(%run_scoped3A : memref<!tpu.dma_semaphore, #tpu.memory_space<semaphore_mem>>)
      %dma_wait3A = arith.constant 0 : i32
      %dma_wait3A_28 = arith.constant 0 : i32
      %dma_wait3A_29 = tpu.memref_slice %arg3[%add3A, %dma_wait3A, %dma_wait3A_28] : memref<32x99x128xi32, #tpu.memory_space<hbm>> -> memref<1x99x128xi32, #tpu.memory_space<hbm>>
      %dma_wait3A_30 = tpu.memref_squeeze %dma_wait3A_29 : memref<1x99x128xi32, #tpu.memory_space<hbm>> -> memref<99x128xi32, #tpu.memory_space<hbm>>
      %dma_wait3A_31 = arith.constant 0 : i32
      %dma_wait3A_32 = arith.constant 0 : i32
      %dma_wait3A_33 = tpu.memref_slice %arg3[%add3A, %dma_wait3A_31, %dma_wait3A_32] : memref<32x99x128xi32, #tpu.memory_space<hbm>> -> memref<1x99x128xi32, #tpu.memory_space<hbm>>
      %dma_wait3A_34 = tpu.memref_squeeze %dma_wait3A_33 : memref<1x99x128xi32, #tpu.memory_space<hbm>> -> memref<99x128xi32, #tpu.memory_space<hbm>>
      tpu.wait_dma2 semaphore(%run_scoped3A : memref<!tpu.dma_semaphore, #tpu.memory_space<semaphore_mem>>) src(%dma_wait3A_34 : memref<99x128xi32, #tpu.memory_space<hbm>>) dst(%arg7 : memref<99x128xi32, #tpu.memory_space<vmem>>)
      tpu.yield
    }) : () -> ()
    "tpu.region"() ({
      %run_scoped3A = tpu.sem_alloc : memref<!tpu.dma_semaphore, #tpu.memory_space<semaphore_mem>>
      %dma_start3A = arith.constant 0 : i32
      %dma_start3A_21 = arith.constant 0 : i32
      %dma_start3A_22 = tpu.memref_slice %arg4[%add3A, %dma_start3A, %dma_start3A_21] : memref<32x99x128xi32, #tpu.memory_space<hbm>> -> memref<1x99x128xi32, #tpu.memory_space<hbm>>
      %dma_start3A_23 = tpu.memref_squeeze %dma_start3A_22 : memref<1x99x128xi32, #tpu.memory_space<hbm>> -> memref<99x128xi32, #tpu.memory_space<hbm>>
      %dma_start3A_24 = arith.constant 0 : i32
      %dma_start3A_25 = arith.constant 0 : i32
      %dma_start3A_26 = tpu.memref_slice %arg4[%add3A, %dma_start3A_24, %dma_start3A_25] : memref<32x99x128xi32, #tpu.memory_space<hbm>> -> memref<1x99x128xi32, #tpu.memory_space<hbm>>
      %dma_start3A_27 = tpu.memref_squeeze %dma_start3A_26 : memref<1x99x128xi32, #tpu.memory_space<hbm>> -> memref<99x128xi32, #tpu.memory_space<hbm>>
      tpu.enqueue_dma source(%dma_start3A_27 : memref<99x128xi32, #tpu.memory_space<hbm>>) target(%arg8 : memref<99x128xi32, #tpu.memory_space<vmem>>) target_semaphore(%run_scoped3A : memref<!tpu.dma_semaphore, #tpu.memory_space<semaphore_mem>>)
      %dma_wait3A = arith.constant 0 : i32
      %dma_wait3A_28 = arith.constant 0 : i32
      %dma_wait3A_29 = tpu.memref_slice %arg4[%add3A, %dma_wait3A, %dma_wait3A_28] : memref<32x99x128xi32, #tpu.memory_space<hbm>> -> memref<1x99x128xi32, #tpu.memory_space<hbm>>
      %dma_wait3A_30 = tpu.memref_squeeze %dma_wait3A_29 : memref<1x99x128xi32, #tpu.memory_space<hbm>> -> memref<99x128xi32, #tpu.memory_space<hbm>>
      %dma_wait3A_31 = arith.constant 0 : i32
      %dma_wait3A_32 = arith.constant 0 : i32
      %dma_wait3A_33 = tpu.memref_slice %arg4[%add3A, %dma_wait3A_31, %dma_wait3A_32] : memref<32x99x128xi32, #tpu.memory_space<hbm>> -> memref<1x99x128xi32, #tpu.memory_space<hbm>>
      %dma_wait3A_34 = tpu.memref_squeeze %dma_wait3A_33 : memref<1x99x128xi32, #tpu.memory_space<hbm>> -> memref<99x128xi32, #tpu.memory_space<hbm>>
      tpu.wait_dma2 semaphore(%run_scoped3A : memref<!tpu.dma_semaphore, #tpu.memory_space<semaphore_mem>>) src(%dma_wait3A_34 : memref<99x128xi32, #tpu.memory_space<hbm>>) dst(%arg8 : memref<99x128xi32, #tpu.memory_space<vmem>>)
      tpu.yield
    }) : () -> ()
    %mul3A_1 = arith.constant 632 : i32
    %mul3A_2 = arith.muli %arg1, %mul3A_1 : i32
    %mul3A_3 = arith.constant 632 : i32
    %mul3A_4 = arith.muli %arg1, %mul3A_3 : i32
    "tpu.region"() ({
      %run_scoped3A = tpu.sem_alloc : memref<!tpu.dma_semaphore, #tpu.memory_space<semaphore_mem>>
      %dma_start3A = arith.constant 0 : i32
      %dma_start3A_21 = tpu.memref_slice %arg10[%mul3A_4, %dma_start3A] : memref<10112x128xf32, #tpu.memory_space<vmem_shared>> -> memref<632x128xf32, #tpu.memory_space<vmem_shared>>
      %dma_start3A_22 = arith.constant 0 : i32
      %dma_start3A_23 = tpu.memref_slice %arg5[%mul3A_2, %dma_start3A_22] : memref<10112x128xf32, #tpu.memory_space<hbm>> -> memref<632x128xf32, #tpu.memory_space<hbm>>
      tpu.enqueue_dma source(%dma_start3A_23 : memref<632x128xf32, #tpu.memory_space<hbm>>) target(%dma_start3A_21 : memref<632x128xf32, #tpu.memory_space<vmem_shared>>) target_semaphore(%run_scoped3A : memref<!tpu.dma_semaphore, #tpu.memory_space<semaphore_mem>>)
      %dma_wait3A = arith.constant 0 : i32
      %dma_wait3A_24 = tpu.memref_slice %arg10[%mul3A_4, %dma_wait3A] : memref<10112x128xf32, #tpu.memory_space<vmem_shared>> -> memref<632x128xf32, #tpu.memory_space<vmem_shared>>
      %dma_wait3A_25 = arith.constant 0 : i32
      %dma_wait3A_26 = tpu.memref_slice %arg5[%mul3A_2, %dma_wait3A_25] : memref<10112x128xf32, #tpu.memory_space<hbm>> -> memref<632x128xf32, #tpu.memory_space<hbm>>
      tpu.wait_dma2 semaphore(%run_scoped3A : memref<!tpu.dma_semaphore, #tpu.memory_space<semaphore_mem>>) src(%dma_wait3A_26 : memref<632x128xf32, #tpu.memory_space<hbm>>) dst(%dma_wait3A_24 : memref<632x128xf32, #tpu.memory_space<vmem_shared>>)
      tpu.yield
    }) : () -> ()
    %barrier3A = arith.constant 0 : index
    tpu.barrier barrier_id(%barrier3A)
    %eq3A = arith.constant 0 : i32
    %eq3A_5 = arith.cmpi eq, %arg0, %eq3A : i32
    %jit3A = arith.constant 99 : i32
    %jit3A_6 = arith.constant 58 : i32
    %select_n3A = arith.select %eq3A_5, %jit3A, %jit3A_6 : i32
    %while3A = arith.constant 0 : i32
    %while3A_7 = arith.constant 0 : i32
    %while3A_8 = arith.subi %select_n3A, %while3A_7 : i32
    %while3A_9 = arith.addi %while3A_7, %while3A_8 : i32
    %while3A_10 = arith.constant 1 : i32
    %while3A_11 = arith.divsi %while3A_8, %while3A_10 : i32
    %while3A_12 = arith.muli %while3A_11, %while3A_10 : i32
    %while3A_13 = arith.addi %while3A_7, %while3A_12 : i32
    %while3A_14 = arith.constant 1 : i32
    scf.for %while3A_21 = %while3A_7 to %while3A_13 step %while3A_14  : i32 {
      %dma_start3A = arith.constant 0 : i32
      %dma_start3A_22 = tpu.memref_slice %arg7[%while3A_21, %dma_start3A] : memref<99x128xi32, #tpu.memory_space<vmem>> -> memref<1x128xi32, #tpu.memory_space<vmem>>
      %dma_start3A_23 = tpu.memref_squeeze %dma_start3A_22 : memref<1x128xi32, #tpu.memory_space<vmem>> -> memref<128xi32, #tpu.memory_space<vmem>>
      %dma_start3A_24 = arith.constant 0 : i32
      %dma_start3A_25 = arith.constant 0 : i32
      %dma_start3A_26 = tpu.memref_slice %arg2[%dma_start3A_24, %dma_start3A_25] : memref<10000x128xf32, #tpu.memory_space<hbm>> -> memref<10000x128xf32, #tpu.memory_space<hbm>>
      tpu.enqueue_indirect_dma source(%dma_start3A_26 : memref<10000x128xf32, #tpu.memory_space<hbm>>) target(%arg9 : memref<128x128xf32, #tpu.memory_space<vmem>>) offsets(%dma_start3A_23 : memref<128xi32, #tpu.memory_space<vmem>>) semaphore(%arg11 : memref<!tpu.dma_semaphore, #tpu.memory_space<semaphore_mem>>)
      %dma_wait3A = arith.constant 0 : i32
      %dma_wait3A_27 = tpu.memref_slice %arg7[%while3A_21, %dma_wait3A] : memref<99x128xi32, #tpu.memory_space<vmem>> -> memref<1x128xi32, #tpu.memory_space<vmem>>
      %dma_wait3A_28 = tpu.memref_squeeze %dma_wait3A_27 : memref<1x128xi32, #tpu.memory_space<vmem>> -> memref<128xi32, #tpu.memory_space<vmem>>
      %dma_wait3A_29 = arith.constant 0 : i32
      %dma_wait3A_30 = arith.constant 0 : i32
      %dma_wait3A_31 = tpu.memref_slice %arg2[%dma_wait3A_29, %dma_wait3A_30] : memref<10000x128xf32, #tpu.memory_space<hbm>> -> memref<10000x128xf32, #tpu.memory_space<hbm>>
      tpu.wait_indirect_dma semaphore(%arg11 : memref<!tpu.dma_semaphore, #tpu.memory_space<semaphore_mem>>) src(%dma_wait3A_31 : memref<10000x128xf32, #tpu.memory_space<hbm>>) dst(%arg9 : memref<128x128xf32, #tpu.memory_space<vmem>>)
      "tpu.region"() ({
        %run_scoped3A = tpu.sem_alloc : memref<!tpu.dma_semaphore, #tpu.memory_space<semaphore_mem>>
        %dma_start3A_32 = arith.constant 0 : i32
        %dma_start3A_33 = tpu.memref_slice %arg8[%while3A_21, %dma_start3A_32] : memref<99x128xi32, #tpu.memory_space<vmem>> -> memref<1x128xi32, #tpu.memory_space<vmem>>
        %dma_start3A_34 = tpu.memref_squeeze %dma_start3A_33 : memref<1x128xi32, #tpu.memory_space<vmem>> -> memref<128xi32, #tpu.memory_space<vmem>>
        %dma_start3A_35 = arith.constant 0 : i32
        %dma_start3A_36 = arith.constant 0 : i32
        %dma_start3A_37 = tpu.memref_slice %arg10[%dma_start3A_35, %dma_start3A_36] : memref<10112x128xf32, #tpu.memory_space<vmem_shared>> -> memref<10112x128xf32, #tpu.memory_space<vmem_shared>>
        tpu.enqueue_indirect_dma source(%arg9 : memref<128x128xf32, #tpu.memory_space<vmem>>) target(%dma_start3A_37 : memref<10112x128xf32, #tpu.memory_space<vmem_shared>>) offsets(%dma_start3A_34 : memref<128xi32, #tpu.memory_space<vmem>>) semaphore(%run_scoped3A : memref<!tpu.dma_semaphore, #tpu.memory_space<semaphore_mem>>) {add = true}
        %dma_wait3A_38 = arith.constant 0 : i32
        %dma_wait3A_39 = tpu.memref_slice %arg8[%while3A_21, %dma_wait3A_38] : memref<99x128xi32, #tpu.memory_space<vmem>> -> memref<1x128xi32, #tpu.memory_space<vmem>>
        %dma_wait3A_40 = tpu.memref_squeeze %dma_wait3A_39 : memref<1x128xi32, #tpu.memory_space<vmem>> -> memref<128xi32, #tpu.memory_space<vmem>>
        %dma_wait3A_41 = arith.constant 0 : i32
        %dma_wait3A_42 = arith.constant 0 : i32
        %dma_wait3A_43 = tpu.memref_slice %arg10[%dma_wait3A_41, %dma_wait3A_42] : memref<10112x128xf32, #tpu.memory_space<vmem_shared>> -> memref<10112x128xf32, #tpu.memory_space<vmem_shared>>
        tpu.wait_indirect_dma semaphore(%run_scoped3A : memref<!tpu.dma_semaphore, #tpu.memory_space<semaphore_mem>>) src(%arg9 : memref<128x128xf32, #tpu.memory_space<vmem>>) dst(%dma_wait3A_43 : memref<10112x128xf32, #tpu.memory_space<vmem_shared>>)
        tpu.yield
      }) : () -> ()
    }
    %while3A_15 = arith.constant 1 : i32
    scf.for %while3A_21 = %while3A_13 to %while3A_9 step %while3A_15  : i32 {
      %dma_start3A = arith.constant 0 : i32
      %dma_start3A_22 = tpu.memref_slice %arg7[%while3A_21, %dma_start3A] : memref<99x128xi32, #tpu.memory_space<vmem>> -> memref<1x128xi32, #tpu.memory_space<vmem>>
      %dma_start3A_23 = tpu.memref_squeeze %dma_start3A_22 : memref<1x128xi32, #tpu.memory_space<vmem>> -> memref<128xi32, #tpu.memory_space<vmem>>
      %dma_start3A_24 = arith.constant 0 : i32
      %dma_start3A_25 = arith.constant 0 : i32
      %dma_start3A_26 = tpu.memref_slice %arg2[%dma_start3A_24, %dma_start3A_25] : memref<10000x128xf32, #tpu.memory_space<hbm>> -> memref<10000x128xf32, #tpu.memory_space<hbm>>
      tpu.enqueue_indirect_dma source(%dma_start3A_26 : memref<10000x128xf32, #tpu.memory_space<hbm>>) target(%arg9 : memref<128x128xf32, #tpu.memory_space<vmem>>) offsets(%dma_start3A_23 : memref<128xi32, #tpu.memory_space<vmem>>) semaphore(%arg11 : memref<!tpu.dma_semaphore, #tpu.memory_space<semaphore_mem>>)
      %dma_wait3A = arith.constant 0 : i32
      %dma_wait3A_27 = tpu.memref_slice %arg7[%while3A_21, %dma_wait3A] : memref<99x128xi32, #tpu.memory_space<vmem>> -> memref<1x128xi32, #tpu.memory_space<vmem>>
      %dma_wait3A_28 = tpu.memref_squeeze %dma_wait3A_27 : memref<1x128xi32, #tpu.memory_space<vmem>> -> memref<128xi32, #tpu.memory_space<vmem>>
      %dma_wait3A_29 = arith.constant 0 : i32
      %dma_wait3A_30 = arith.constant 0 : i32
      %dma_wait3A_31 = tpu.memref_slice %arg2[%dma_wait3A_29, %dma_wait3A_30] : memref<10000x128xf32, #tpu.memory_space<hbm>> -> memref<10000x128xf32, #tpu.memory_space<hbm>>
      tpu.wait_indirect_dma semaphore(%arg11 : memref<!tpu.dma_semaphore, #tpu.memory_space<semaphore_mem>>) src(%dma_wait3A_31 : memref<10000x128xf32, #tpu.memory_space<hbm>>) dst(%arg9 : memref<128x128xf32, #tpu.memory_space<vmem>>)
      "tpu.region"() ({
        %run_scoped3A = tpu.sem_alloc : memref<!tpu.dma_semaphore, #tpu.memory_space<semaphore_mem>>
        %dma_start3A_32 = arith.constant 0 : i32
        %dma_start3A_33 = tpu.memref_slice %arg8[%while3A_21, %dma_start3A_32] : memref<99x128xi32, #tpu.memory_space<vmem>> -> memref<1x128xi32, #tpu.memory_space<vmem>>
        %dma_start3A_34 = tpu.memref_squeeze %dma_start3A_33 : memref<1x128xi32, #tpu.memory_space<vmem>> -> memref<128xi32, #tpu.memory_space<vmem>>
        %dma_start3A_35 = arith.constant 0 : i32
        %dma_start3A_36 = arith.constant 0 : i32
        %dma_start3A_37 = tpu.memref_slice %arg10[%dma_start3A_35, %dma_start3A_36] : memref<10112x128xf32, #tpu.memory_space<vmem_shared>> -> memref<10112x128xf32, #tpu.memory_space<vmem_shared>>
        tpu.enqueue_indirect_dma source(%arg9 : memref<128x128xf32, #tpu.memory_space<vmem>>) target(%dma_start3A_37 : memref<10112x128xf32, #tpu.memory_space<vmem_shared>>) offsets(%dma_start3A_34 : memref<128xi32, #tpu.memory_space<vmem>>) semaphore(%run_scoped3A : memref<!tpu.dma_semaphore, #tpu.memory_space<semaphore_mem>>) {add = true}
        %dma_wait3A_38 = arith.constant 0 : i32
        %dma_wait3A_39 = tpu.memref_slice %arg8[%while3A_21, %dma_wait3A_38] : memref<99x128xi32, #tpu.memory_space<vmem>> -> memref<1x128xi32, #tpu.memory_space<vmem>>
        %dma_wait3A_40 = tpu.memref_squeeze %dma_wait3A_39 : memref<1x128xi32, #tpu.memory_space<vmem>> -> memref<128xi32, #tpu.memory_space<vmem>>
        %dma_wait3A_41 = arith.constant 0 : i32
        %dma_wait3A_42 = arith.constant 0 : i32
        %dma_wait3A_43 = tpu.memref_slice %arg10[%dma_wait3A_41, %dma_wait3A_42] : memref<10112x128xf32, #tpu.memory_space<vmem_shared>> -> memref<10112x128xf32, #tpu.memory_space<vmem_shared>>
        tpu.wait_indirect_dma semaphore(%run_scoped3A : memref<!tpu.dma_semaphore, #tpu.memory_space<semaphore_mem>>) src(%arg9 : memref<128x128xf32, #tpu.memory_space<vmem>>) dst(%dma_wait3A_43 : memref<10112x128xf32, #tpu.memory_space<vmem_shared>>)
        tpu.yield
      }) : () -> ()
    }
    %barrier3A_16 = arith.constant 0 : index
    tpu.barrier barrier_id(%barrier3A_16)
    %mul3A_17 = arith.constant 632 : i32
    %mul3A_18 = arith.muli %arg1, %mul3A_17 : i32
    %mul3A_19 = arith.constant 632 : i32
    %mul3A_20 = arith.muli %arg1, %mul3A_19 : i32
    "tpu.region"() ({
      %run_scoped3A = tpu.sem_alloc : memref<!tpu.dma_semaphore, #tpu.memory_space<semaphore_mem>>
      %dma_start3A = arith.constant 0 : i32
      %dma_start3A_21 = arith.constant 0 : i32
      %dma_start3A_22 = tpu.memref_slice %arg6[%arg0, %dma_start3A, %dma_start3A_21] : memref<2x10112x128xf32, #tpu.memory_space<hbm>> -> memref<1x10112x128xf32, #tpu.memory_space<hbm>>
      %dma_start3A_23 = tpu.memref_squeeze %dma_start3A_22 : memref<1x10112x128xf32, #tpu.memory_space<hbm>> -> memref<10112x128xf32, #tpu.memory_space<hbm>>
      %dma_start3A_24 = arith.constant 0 : i32
      %dma_start3A_25 = tpu.memref_slice %dma_start3A_23[%mul3A_20, %dma_start3A_24] : memref<10112x128xf32, #tpu.memory_space<hbm>> -> memref<632x128xf32, #tpu.memory_space<hbm>>
      %dma_start3A_26 = arith.constant 0 : i32
      %dma_start3A_27 = tpu.memref_slice %arg10[%mul3A_18, %dma_start3A_26] : memref<10112x128xf32, #tpu.memory_space<vmem_shared>> -> memref<632x128xf32, #tpu.memory_space<vmem_shared>>
      tpu.enqueue_dma source(%dma_start3A_27 : memref<632x128xf32, #tpu.memory_space<vmem_shared>>) target(%dma_start3A_25 : memref<632x128xf32, #tpu.memory_space<hbm>>) target_semaphore(%run_scoped3A : memref<!tpu.dma_semaphore, #tpu.memory_space<semaphore_mem>>)
      %dma_wait3A = arith.constant 0 : i32
      %dma_wait3A_28 = arith.constant 0 : i32
      %dma_wait3A_29 = tpu.memref_slice %arg6[%arg0, %dma_wait3A, %dma_wait3A_28] : memref<2x10112x128xf32, #tpu.memory_space<hbm>> -> memref<1x10112x128xf32, #tpu.memory_space<hbm>>
      %dma_wait3A_30 = tpu.memref_squeeze %dma_wait3A_29 : memref<1x10112x128xf32, #tpu.memory_space<hbm>> -> memref<10112x128xf32, #tpu.memory_space<hbm>>
      %dma_wait3A_31 = arith.constant 0 : i32
      %dma_wait3A_32 = tpu.memref_slice %dma_wait3A_30[%mul3A_20, %dma_wait3A_31] : memref<10112x128xf32, #tpu.memory_space<hbm>> -> memref<632x128xf32, #tpu.memory_space<hbm>>
      %dma_wait3A_33 = arith.constant 0 : i32
      %dma_wait3A_34 = tpu.memref_slice %arg10[%mul3A_18, %dma_wait3A_33] : memref<10112x128xf32, #tpu.memory_space<vmem_shared>> -> memref<632x128xf32, #tpu.memory_space<vmem_shared>>
      tpu.wait_dma2 semaphore(%run_scoped3A : memref<!tpu.dma_semaphore, #tpu.memory_space<semaphore_mem>>) src(%dma_wait3A_34 : memref<632x128xf32, #tpu.memory_space<vmem_shared>>) dst(%dma_wait3A_32 : memref<632x128xf32, #tpu.memory_space<hbm>>)
      tpu.yield
    }) : () -> ()
    return
  }
}

module attributes {stable_mosaic.version = 14 : i64} {
  func.func @_tc_layer_body(%arg0: memref<2x10112x128xf32, #tpu.memory_space<vmem>>, %arg1: memref<10000x128xf32, #tpu.memory_space<vmem>>, %arg2: memref<10000x128xf32, #tpu.memory_space<vmem>>, %arg3: memref<10000x1xf32, #tpu.memory_space<vmem>>, %arg4: memref<1x128xf32, #tpu.memory_space<vmem>>, %arg5: memref<1x128xf32, #tpu.memory_space<vmem>>, %arg6: memref<1x128xf32, #tpu.memory_space<vmem>>, %arg7: memref<1x10000xi32, #tpu.memory_space<vmem>>, %arg8: memref<128x128xf32, #tpu.memory_space<vmem>>, %arg9: memref<10000x128xf32, #tpu.memory_space<vmem>>, %arg10: memref<128x128xf32, #tpu.memory_space<vmem>>, %arg11: memref<10000x128xf32, #tpu.memory_space<vmem>>) attributes {dimension_semantics = [], scalar_prefetch = 0 : i64, scratch_operands = 0 : i64, tpu.core_type = #tpu.core_type<tc>} {
    %get3A = arith.constant 0 : index
    %get3A_0 = arith.constant 0 : index
    %get3A_1 = arith.constant 0 : index
    %get3A_2 = vector.load %arg0[%get3A, %get3A_0, %get3A_1] : memref<2x10112x128xf32, #tpu.memory_space<vmem>>, vector<2x10112x128xf32>
    %get3A_3 = arith.constant 0 : index
    %get3A_4 = arith.constant 0 : index
    %get3A_5 = vector.load %arg3[%get3A_3, %get3A_4] : memref<10000x1xf32, #tpu.memory_space<vmem>>, vector<10000x1xf32>
    %slice3A = vector.extract_strided_slice %get3A_2 {offsets = [0, 0, 0], sizes = [1, 10000, 128], strides = [1, 1, 1]} : vector<2x10112x128xf32> to vector<1x10000x128xf32>
    %squeeze3A = vector.shape_cast %slice3A : vector<1x10000x128xf32> to vector<10000x128xf32>
    %slice3A_6 = vector.extract_strided_slice %get3A_2 {offsets = [1, 0, 0], sizes = [1, 10000, 128], strides = [1, 1, 1]} : vector<2x10112x128xf32> to vector<1x10000x128xf32>
    %squeeze3A_7 = vector.shape_cast %slice3A_6 : vector<1x10000x128xf32> to vector<10000x128xf32>
    %add3A = arith.addf %squeeze3A, %squeeze3A_7 : vector<10000x128xf32>
    %get3A_8 = arith.constant 0 : index
    %get3A_9 = arith.constant 0 : index
    %get3A_10 = vector.load %arg1[%get3A_8, %get3A_9] : memref<10000x128xf32, #tpu.memory_space<vmem>>, vector<10000x128xf32>
    %add3A_11 = arith.addf %add3A, %get3A_10 : vector<10000x128xf32>
    %mul3A = vector.broadcast %get3A_5 : vector<10000x1xf32> to vector<10000x128xf32>
    %mul3A_12 = arith.mulf %add3A_11, %mul3A : vector<10000x128xf32>
    %get3A_13 = arith.constant 0 : index
    %get3A_14 = arith.constant 0 : index
    %get3A_15 = vector.load %arg4[%get3A_13, %get3A_14] : memref<1x128xf32, #tpu.memory_space<vmem>>, vector<1x128xf32>
    %add3A_16 = vector.broadcast %get3A_15 : vector<1x128xf32> to vector<10000x128xf32>
    %add3A_17 = arith.addf %mul3A_12, %add3A_16 : vector<10000x128xf32>
    %reduce_sum3A = arith.constant dense<0.000000e+00> : vector<128xf32>
    %reduce_sum3A_18 = vector.multi_reduction <add>, %add3A_17, %reduce_sum3A [0] : vector<10000x128xf32> to vector<128xf32>
    %broadcast_in_dim3A = vector.shape_cast %reduce_sum3A_18 : vector<128xf32> to vector<1x128xf32>
    %div3A = arith.constant 1.000000e+04 : f32
    %div3A_19 = vector.broadcast %div3A : f32 to vector<1x128xf32>
    %div3A_20 = arith.divf %broadcast_in_dim3A, %div3A_19 : vector<1x128xf32>
    %sub3A = vector.broadcast %div3A_20 : vector<1x128xf32> to vector<10000x128xf32>
    %sub3A_21 = arith.subf %add3A_17, %sub3A : vector<10000x128xf32>
    %integer_pow3A = arith.mulf %sub3A_21, %sub3A_21 : vector<10000x128xf32>
    %reduce_sum3A_22 = arith.constant dense<0.000000e+00> : vector<128xf32>
    %reduce_sum3A_23 = vector.multi_reduction <add>, %integer_pow3A, %reduce_sum3A_22 [0] : vector<10000x128xf32> to vector<128xf32>
    %broadcast_in_dim3A_24 = vector.shape_cast %reduce_sum3A_23 : vector<128xf32> to vector<1x128xf32>
    %div3A_25 = arith.constant 1.000000e+04 : f32
    %div3A_26 = vector.broadcast %div3A_25 : f32 to vector<1x128xf32>
    %div3A_27 = arith.divf %broadcast_in_dim3A_24, %div3A_26 : vector<1x128xf32>
    %sub3A_28 = vector.broadcast %div3A_20 : vector<1x128xf32> to vector<10000x128xf32>
    %sub3A_29 = arith.subf %add3A_17, %sub3A_28 : vector<10000x128xf32>
    %add3A_30 = arith.constant 9.99999974E-6 : f32
    %add3A_31 = vector.broadcast %add3A_30 : f32 to vector<1x128xf32>
    %add3A_32 = arith.addf %div3A_27, %add3A_31 : vector<1x128xf32>
    %rsqrt3A = math.rsqrt %add3A_32 : vector<1x128xf32>
    %mul3A_33 = vector.broadcast %rsqrt3A : vector<1x128xf32> to vector<10000x128xf32>
    %mul3A_34 = arith.mulf %sub3A_29, %mul3A_33 : vector<10000x128xf32>
    %get3A_35 = arith.constant 0 : index
    %get3A_36 = arith.constant 0 : index
    %get3A_37 = vector.load %arg5[%get3A_35, %get3A_36] : memref<1x128xf32, #tpu.memory_space<vmem>>, vector<1x128xf32>
    %mul3A_38 = vector.broadcast %get3A_37 : vector<1x128xf32> to vector<10000x128xf32>
    %mul3A_39 = arith.mulf %mul3A_34, %mul3A_38 : vector<10000x128xf32>
    %get3A_40 = arith.constant 0 : index
    %get3A_41 = arith.constant 0 : index
    %get3A_42 = vector.load %arg6[%get3A_40, %get3A_41] : memref<1x128xf32, #tpu.memory_space<vmem>>, vector<1x128xf32>
    %add3A_43 = vector.broadcast %get3A_42 : vector<1x128xf32> to vector<10000x128xf32>
    %add3A_44 = arith.addf %mul3A_39, %add3A_43 : vector<10000x128xf32>
    %get3A_45 = arith.constant 0 : index
    %get3A_46 = arith.constant 0 : index
    %get3A_47 = vector.load %arg2[%get3A_45, %get3A_46] : memref<10000x128xf32, #tpu.memory_space<vmem>>, vector<10000x128xf32>
    %max3A = arith.constant 0.000000e+00 : f32
    %max3A_48 = vector.broadcast %max3A : f32 to vector<10000x128xf32>
    %max3A_49 = arith.maximumf %add3A_44, %max3A_48 : vector<10000x128xf32>
    %add3A_50 = arith.addf %get3A_47, %max3A_49 : vector<10000x128xf32>
    %swap3A = arith.constant 0 : index
    %swap3A_51 = arith.constant 0 : index
    %swap3A_52 = vector.load %arg9[%swap3A, %swap3A_51] : memref<10000x128xf32, #tpu.memory_space<vmem>>, vector<10000x128xf32>
    tpu.vector_store %arg9[%swap3A, %swap3A_51], %add3A_50 {strides = array<i32>} : memref<10000x128xf32, #tpu.memory_space<vmem>>, vector<10000x128xf32>,
    %iota3A = tpu.iota {dimensions = array<i32: 1>} : vector<1x128xi32>
    %iota3A_53 = vector.shape_cast %iota3A : vector<1x128xi32> to vector<128xi32>
    %broadcast_in_dim3A_54 = vector.shape_cast %iota3A_53 : vector<128xi32> to vector<128x1xi32>
    %get3A_55 = arith.constant 0 : index
    %get3A_56 = arith.constant 0 : index
    %get3A_57 = vector.load %arg7[%get3A_55, %get3A_56] : memref<1x10000xi32, #tpu.memory_space<vmem>>, vector<1x10000xi32>
    %eq3A = vector.broadcast %broadcast_in_dim3A_54 : vector<128x1xi32> to vector<128x10000xi32>
    %eq3A_58 = vector.broadcast %get3A_57 : vector<1x10000xi32> to vector<128x10000xi32>
    %eq3A_59 = arith.cmpi eq, %eq3A, %eq3A_58 : vector<128x10000xi32>
    %convert_element_type3A = arith.extui %eq3A_59 : vector<128x10000xi1> to vector<128x10000xi32>
    %convert_element_type3A_60 = arith.sitofp %convert_element_type3A : vector<128x10000xi32> to vector<128x10000xf32>
    %dot_general3A = arith.constant dense<0.000000e+00> : vector<128x128xf32>
    %dot_general3A_61 = tpu.matmul %convert_element_type3A_60, %add3A_50, %dot_general3A {dimension_numbers = #tpu.dot_dimension_numbers<[1], [0], [0], [1], [0, 0, 1, 1], [], []>, transpose_lhs_hint = false} : vector<128x10000xf32>, vector<10000x128xf32>, vector<128x128xf32> -> vector<128x128xf32>
    %swap3A_62 = arith.constant 0 : index
    %swap3A_63 = arith.constant 0 : index
    %swap3A_64 = vector.load %arg10[%swap3A_62, %swap3A_63] : memref<128x128xf32, #tpu.memory_space<vmem>>, vector<128x128xf32>
    tpu.vector_store %arg10[%swap3A_62, %swap3A_63], %dot_general3A_61 {strides = array<i32>} : memref<128x128xf32, #tpu.memory_space<vmem>>, vector<128x128xf32>,
    %get3A_65 = arith.constant 0 : index
    %get3A_66 = arith.constant 0 : index
    %get3A_67 = vector.load %arg8[%get3A_65, %get3A_66] : memref<128x128xf32, #tpu.memory_space<vmem>>, vector<128x128xf32>
    %dot_general3A_68 = arith.constant dense<0.000000e+00> : vector<10000x128xf32>
    %dot_general3A_69 = tpu.matmul %add3A_50, %get3A_67, %dot_general3A_68 {dimension_numbers = #tpu.dot_dimension_numbers<[1], [0], [0], [1], [0, 0, 1, 1], [], []>, transpose_lhs_hint = false} : vector<10000x128xf32>, vector<128x128xf32>, vector<10000x128xf32> -> vector<10000x128xf32>
    %mul3A_70 = vector.broadcast %get3A_5 : vector<10000x1xf32> to vector<10000x128xf32>
    %mul3A_71 = arith.mulf %dot_general3A_69, %mul3A_70 : vector<10000x128xf32>
    %swap3A_72 = arith.constant 0 : index
    %swap3A_73 = arith.constant 0 : index
    %swap3A_74 = vector.load %arg11[%swap3A_72, %swap3A_73] : memref<10000x128xf32, #tpu.memory_space<vmem>>, vector<10000x128xf32>
    tpu.vector_store %arg11[%swap3A_72, %swap3A_73], %mul3A_71 {strides = array<i32>} : memref<10000x128xf32, #tpu.memory_space<vmem>>, vector<10000x128xf32>,
    return
  }
}

module attributes {stable_mosaic.version = 14 : i64} {
  func.func @_tc_front_body(%arg0: memref<10000x128xf32, #tpu.memory_space<vmem>>, %arg1: memref<128x128xf32, #tpu.memory_space<vmem>>, %arg2: memref<1x128xf32, #tpu.memory_space<vmem>>, %arg3: memref<128x128xf32, #tpu.memory_space<vmem>>, %arg4: memref<2x10112x128xf32, #tpu.memory_space<vmem>>, %arg5: memref<10000x128xf32, #tpu.memory_space<vmem>>, %arg6: memref<10000x128xf32, #tpu.memory_space<vmem>>, %arg7: memref<10000x1xf32, #tpu.memory_space<vmem>>) attributes {dimension_semantics = [], scalar_prefetch = 0 : i64, scratch_operands = 0 : i64, tpu.core_type = #tpu.core_type<tc>} {
    %get3A = arith.constant 0 : index
    %get3A_0 = arith.constant 0 : index
    %get3A_1 = arith.constant 0 : index
    %get3A_2 = vector.load %arg4[%get3A, %get3A_0, %get3A_1] : memref<2x10112x128xf32, #tpu.memory_space<vmem>>, vector<2x10112x128xf32>
    %slice3A = vector.extract_strided_slice %get3A_2 {offsets = [0, 0, 0], sizes = [1, 10000, 1], strides = [1, 1, 1]} : vector<2x10112x128xf32> to vector<1x10000x1xf32>
    %squeeze3A = vector.shape_cast %slice3A : vector<1x10000x1xf32> to vector<10000xf32>
    %slice3A_3 = vector.extract_strided_slice %get3A_2 {offsets = [1, 0, 0], sizes = [1, 10000, 1], strides = [1, 1, 1]} : vector<2x10112x128xf32> to vector<1x10000x1xf32>
    %squeeze3A_4 = vector.shape_cast %slice3A_3 : vector<1x10000x1xf32> to vector<10000xf32>
    %add3A = arith.addf %squeeze3A, %squeeze3A_4 : vector<10000xf32>
    %add3A_5 = arith.constant 1.000000e+00 : f32
    %add3A_6 = vector.broadcast %add3A_5 : f32 to vector<10000xf32>
    %add3A_7 = arith.addf %add3A, %add3A_6 : vector<10000xf32>
    %max3A = arith.constant 1.000000e+00 : f32
    %max3A_8 = vector.broadcast %max3A : f32 to vector<10000xf32>
    %max3A_9 = arith.maximumf %add3A_7, %max3A_8 : vector<10000xf32>
    %rsqrt3A = math.rsqrt %max3A_9 : vector<10000xf32>
    %get3A_10 = arith.constant 0 : index
    %get3A_11 = arith.constant 0 : index
    %get3A_12 = vector.load %arg0[%get3A_10, %get3A_11] : memref<10000x128xf32, #tpu.memory_space<vmem>>, vector<10000x128xf32>
    %get3A_13 = arith.constant 0 : index
    %get3A_14 = arith.constant 0 : index
    %get3A_15 = vector.load %arg1[%get3A_13, %get3A_14] : memref<128x128xf32, #tpu.memory_space<vmem>>, vector<128x128xf32>
    %dot_general3A = arith.constant dense<0.000000e+00> : vector<10000x128xf32>
    %dot_general3A_16 = tpu.matmul %get3A_12, %get3A_15, %dot_general3A {dimension_numbers = #tpu.dot_dimension_numbers<[1], [0], [0], [1], [0, 0, 1, 1], [], []>, transpose_lhs_hint = false} : vector<10000x128xf32>, vector<128x128xf32>, vector<10000x128xf32> -> vector<10000x128xf32>
    %get3A_17 = arith.constant 0 : index
    %get3A_18 = arith.constant 0 : index
    %get3A_19 = vector.load %arg2[%get3A_17, %get3A_18] : memref<1x128xf32, #tpu.memory_space<vmem>>, vector<1x128xf32>
    %add3A_20 = vector.broadcast %get3A_19 : vector<1x128xf32> to vector<10000x128xf32>
    %add3A_21 = arith.addf %dot_general3A_16, %add3A_20 : vector<10000x128xf32>
    %max3A_22 = arith.constant 0.000000e+00 : f32
    %max3A_23 = vector.broadcast %max3A_22 : f32 to vector<10000x128xf32>
    %max3A_24 = arith.maximumf %add3A_21, %max3A_23 : vector<10000x128xf32>
    %swap3A = arith.constant 0 : index
    %swap3A_25 = arith.constant 0 : index
    %swap3A_26 = vector.load %arg5[%swap3A, %swap3A_25] : memref<10000x128xf32, #tpu.memory_space<vmem>>, vector<10000x128xf32>
    tpu.vector_store %arg5[%swap3A, %swap3A_25], %max3A_24 {strides = array<i32>} : memref<10000x128xf32, #tpu.memory_space<vmem>>, vector<10000x128xf32>,
    %get3A_27 = arith.constant 0 : index
    %get3A_28 = arith.constant 0 : index
    %get3A_29 = vector.load %arg3[%get3A_27, %get3A_28] : memref<128x128xf32, #tpu.memory_space<vmem>>, vector<128x128xf32>
    %dot_general3A_30 = arith.constant dense<0.000000e+00> : vector<10000x128xf32>
    %dot_general3A_31 = tpu.matmul %max3A_24, %get3A_29, %dot_general3A_30 {dimension_numbers = #tpu.dot_dimension_numbers<[1], [0], [0], [1], [0, 0, 1, 1], [], []>, transpose_lhs_hint = false} : vector<10000x128xf32>, vector<128x128xf32>, vector<10000x128xf32> -> vector<10000x128xf32>
    %broadcast_in_dim3A = vector.shape_cast %rsqrt3A : vector<10000xf32> to vector<10000x1xf32>
    %mul3A = vector.broadcast %broadcast_in_dim3A : vector<10000x1xf32> to vector<10000x128xf32>
    %mul3A_32 = arith.mulf %dot_general3A_31, %mul3A : vector<10000x128xf32>
    %swap3A_33 = arith.constant 0 : index
    %swap3A_34 = arith.constant 0 : index
    %swap3A_35 = vector.load %arg6[%swap3A_33, %swap3A_34] : memref<10000x128xf32, #tpu.memory_space<vmem>>, vector<10000x128xf32>
    tpu.vector_store %arg6[%swap3A_33, %swap3A_34], %mul3A_32 {strides = array<i32>} : memref<10000x128xf32, #tpu.memory_space<vmem>>, vector<10000x128xf32>,
    %broadcast_in_dim3A_36 = vector.shape_cast %rsqrt3A : vector<10000xf32> to vector<10000x1xf32>
    %swap3A_37 = arith.constant 0 : index
    %swap3A_38 = arith.constant 0 : index
    %swap3A_39 = vector.load %arg7[%swap3A_37, %swap3A_38] : memref<10000x1xf32, #tpu.memory_space<vmem>>, vector<10000x1xf32>
    tpu.vector_store %arg7[%swap3A_37, %swap3A_38], %broadcast_in_dim3A_36 {strides = array<i32>} : memref<10000x1xf32, #tpu.memory_space<vmem>>, vector<10000x1xf32>,
    return
  }
}

module attributes {stable_mosaic.version = 14 : i64} {
  func.func @_tc_layer_body(%arg0: memref<2x10112x128xf32, #tpu.memory_space<vmem>>, %arg1: memref<10000x128xf32, #tpu.memory_space<vmem>>, %arg2: memref<10000x128xf32, #tpu.memory_space<vmem>>, %arg3: memref<10000x1xf32, #tpu.memory_space<vmem>>, %arg4: memref<1x128xf32, #tpu.memory_space<vmem>>, %arg5: memref<1x128xf32, #tpu.memory_space<vmem>>, %arg6: memref<1x128xf32, #tpu.memory_space<vmem>>, %arg7: memref<1x10000xi32, #tpu.memory_space<vmem>>, %arg8: memref<128x128xf32, #tpu.memory_space<vmem>>, %arg9: memref<10000x128xf32, #tpu.memory_space<vmem>>, %arg10: memref<128x128xf32, #tpu.memory_space<vmem>>, %arg11: memref<10000x128xf32, #tpu.memory_space<vmem>>) attributes {dimension_semantics = [], scalar_prefetch = 0 : i64, scratch_operands = 0 : i64, tpu.core_type = #tpu.core_type<tc>} {
    %get3A = arith.constant 0 : index
    %get3A_0 = arith.constant 0 : index
    %get3A_1 = arith.constant 0 : index
    %get3A_2 = vector.load %arg0[%get3A, %get3A_0, %get3A_1] : memref<2x10112x128xf32, #tpu.memory_space<vmem>>, vector<2x10112x128xf32>
    %get3A_3 = arith.constant 0 : index
    %get3A_4 = arith.constant 0 : index
    %get3A_5 = vector.load %arg3[%get3A_3, %get3A_4] : memref<10000x1xf32, #tpu.memory_space<vmem>>, vector<10000x1xf32>
    %slice3A = vector.extract_strided_slice %get3A_2 {offsets = [0, 0, 0], sizes = [1, 10000, 128], strides = [1, 1, 1]} : vector<2x10112x128xf32> to vector<1x10000x128xf32>
    %squeeze3A = vector.shape_cast %slice3A : vector<1x10000x128xf32> to vector<10000x128xf32>
    %slice3A_6 = vector.extract_strided_slice %get3A_2 {offsets = [1, 0, 0], sizes = [1, 10000, 128], strides = [1, 1, 1]} : vector<2x10112x128xf32> to vector<1x10000x128xf32>
    %squeeze3A_7 = vector.shape_cast %slice3A_6 : vector<1x10000x128xf32> to vector<10000x128xf32>
    %add3A = arith.addf %squeeze3A, %squeeze3A_7 : vector<10000x128xf32>
    %get3A_8 = arith.constant 0 : index
    %get3A_9 = arith.constant 0 : index
    %get3A_10 = vector.load %arg1[%get3A_8, %get3A_9] : memref<10000x128xf32, #tpu.memory_space<vmem>>, vector<10000x128xf32>
    %add3A_11 = arith.addf %add3A, %get3A_10 : vector<10000x128xf32>
    %mul3A = vector.broadcast %get3A_5 : vector<10000x1xf32> to vector<10000x128xf32>
    %mul3A_12 = arith.mulf %add3A_11, %mul3A : vector<10000x128xf32>
    %get3A_13 = arith.constant 0 : index
    %get3A_14 = arith.constant 0 : index
    %get3A_15 = vector.load %arg4[%get3A_13, %get3A_14] : memref<1x128xf32, #tpu.memory_space<vmem>>, vector<1x128xf32>
    %add3A_16 = vector.broadcast %get3A_15 : vector<1x128xf32> to vector<10000x128xf32>
    %add3A_17 = arith.addf %mul3A_12, %add3A_16 : vector<10000x128xf32>
    %reduce_sum3A = arith.constant dense<0.000000e+00> : vector<128xf32>
    %reduce_sum3A_18 = vector.multi_reduction <add>, %add3A_17, %reduce_sum3A [0] : vector<10000x128xf32> to vector<128xf32>
    %broadcast_in_dim3A = vector.shape_cast %reduce_sum3A_18 : vector<128xf32> to vector<1x128xf32>
    %div3A = arith.constant 1.000000e+04 : f32
    %div3A_19 = vector.broadcast %div3A : f32 to vector<1x128xf32>
    %div3A_20 = arith.divf %broadcast_in_dim3A, %div3A_19 : vector<1x128xf32>
    %sub3A = vector.broadcast %div3A_20 : vector<1x128xf32> to vector<10000x128xf32>
    %sub3A_21 = arith.subf %add3A_17, %sub3A : vector<10000x128xf32>
    %integer_pow3A = arith.mulf %sub3A_21, %sub3A_21 : vector<10000x128xf32>
    %reduce_sum3A_22 = arith.constant dense<0.000000e+00> : vector<128xf32>
    %reduce_sum3A_23 = vector.multi_reduction <add>, %integer_pow3A, %reduce_sum3A_22 [0] : vector<10000x128xf32> to vector<128xf32>
    %broadcast_in_dim3A_24 = vector.shape_cast %reduce_sum3A_23 : vector<128xf32> to vector<1x128xf32>
    %div3A_25 = arith.constant 1.000000e+04 : f32
    %div3A_26 = vector.broadcast %div3A_25 : f32 to vector<1x128xf32>
    %div3A_27 = arith.divf %broadcast_in_dim3A_24, %div3A_26 : vector<1x128xf32>
    %sub3A_28 = vector.broadcast %div3A_20 : vector<1x128xf32> to vector<10000x128xf32>
    %sub3A_29 = arith.subf %add3A_17, %sub3A_28 : vector<10000x128xf32>
    %add3A_30 = arith.constant 9.99999974E-6 : f32
    %add3A_31 = vector.broadcast %add3A_30 : f32 to vector<1x128xf32>
    %add3A_32 = arith.addf %div3A_27, %add3A_31 : vector<1x128xf32>
    %rsqrt3A = math.rsqrt %add3A_32 : vector<1x128xf32>
    %mul3A_33 = vector.broadcast %rsqrt3A : vector<1x128xf32> to vector<10000x128xf32>
    %mul3A_34 = arith.mulf %sub3A_29, %mul3A_33 : vector<10000x128xf32>
    %get3A_35 = arith.constant 0 : index
    %get3A_36 = arith.constant 0 : index
    %get3A_37 = vector.load %arg5[%get3A_35, %get3A_36] : memref<1x128xf32, #tpu.memory_space<vmem>>, vector<1x128xf32>
    %mul3A_38 = vector.broadcast %get3A_37 : vector<1x128xf32> to vector<10000x128xf32>
    %mul3A_39 = arith.mulf %mul3A_34, %mul3A_38 : vector<10000x128xf32>
    %get3A_40 = arith.constant 0 : index
    %get3A_41 = arith.constant 0 : index
    %get3A_42 = vector.load %arg6[%get3A_40, %get3A_41] : memref<1x128xf32, #tpu.memory_space<vmem>>, vector<1x128xf32>
    %add3A_43 = vector.broadcast %get3A_42 : vector<1x128xf32> to vector<10000x128xf32>
    %add3A_44 = arith.addf %mul3A_39, %add3A_43 : vector<10000x128xf32>
    %get3A_45 = arith.constant 0 : index
    %get3A_46 = arith.constant 0 : index
    %get3A_47 = vector.load %arg2[%get3A_45, %get3A_46] : memref<10000x128xf32, #tpu.memory_space<vmem>>, vector<10000x128xf32>
    %max3A = arith.constant 0.000000e+00 : f32
    %max3A_48 = vector.broadcast %max3A : f32 to vector<10000x128xf32>
    %max3A_49 = arith.maximumf %add3A_44, %max3A_48 : vector<10000x128xf32>
    %add3A_50 = arith.addf %get3A_47, %max3A_49 : vector<10000x128xf32>
    %swap3A = arith.constant 0 : index
    %swap3A_51 = arith.constant 0 : index
    %swap3A_52 = vector.load %arg9[%swap3A, %swap3A_51] : memref<10000x128xf32, #tpu.memory_space<vmem>>, vector<10000x128xf32>
    tpu.vector_store %arg9[%swap3A, %swap3A_51], %add3A_50 {strides = array<i32>} : memref<10000x128xf32, #tpu.memory_space<vmem>>, vector<10000x128xf32>,
    %iota3A = tpu.iota {dimensions = array<i32: 1>} : vector<1x128xi32>
    %iota3A_53 = vector.shape_cast %iota3A : vector<1x128xi32> to vector<128xi32>
    %broadcast_in_dim3A_54 = vector.shape_cast %iota3A_53 : vector<128xi32> to vector<128x1xi32>
    %get3A_55 = arith.constant 0 : index
    %get3A_56 = arith.constant 0 : index
    %get3A_57 = vector.load %arg7[%get3A_55, %get3A_56] : memref<1x10000xi32, #tpu.memory_space<vmem>>, vector<1x10000xi32>
    %eq3A = vector.broadcast %broadcast_in_dim3A_54 : vector<128x1xi32> to vector<128x10000xi32>
    %eq3A_58 = vector.broadcast %get3A_57 : vector<1x10000xi32> to vector<128x10000xi32>
    %eq3A_59 = arith.cmpi eq, %eq3A, %eq3A_58 : vector<128x10000xi32>
    %convert_element_type3A = arith.extui %eq3A_59 : vector<128x10000xi1> to vector<128x10000xi32>
    %convert_element_type3A_60 = arith.sitofp %convert_element_type3A : vector<128x10000xi32> to vector<128x10000xf32>
    %dot_general3A = arith.constant dense<0.000000e+00> : vector<128x128xf32>
    %dot_general3A_61 = tpu.matmul %convert_element_type3A_60, %add3A_50, %dot_general3A {dimension_numbers = #tpu.dot_dimension_numbers<[1], [0], [0], [1], [0, 0, 1, 1], [], []>, transpose_lhs_hint = false} : vector<128x10000xf32>, vector<10000x128xf32>, vector<128x128xf32> -> vector<128x128xf32>
    %swap3A_62 = arith.constant 0 : index
    %swap3A_63 = arith.constant 0 : index
    %swap3A_64 = vector.load %arg10[%swap3A_62, %swap3A_63] : memref<128x128xf32, #tpu.memory_space<vmem>>, vector<128x128xf32>
    tpu.vector_store %arg10[%swap3A_62, %swap3A_63], %dot_general3A_61 {strides = array<i32>} : memref<128x128xf32, #tpu.memory_space<vmem>>, vector<128x128xf32>,
    return
  }
}

module attributes {stable_mosaic.version = 14 : i64} {
  func.func @_tc_head_body(%arg0: memref<128x128xf32, #tpu.memory_space<vmem>>, %arg1: memref<128x128xf32, #tpu.memory_space<vmem>>, %arg2: memref<128x128xf32, #tpu.memory_space<vmem>>, %arg3: memref<384x128xf32, #tpu.memory_space<vmem>>, %arg4: memref<1x128xf32, #tpu.memory_space<vmem>>, %arg5: memref<128x128xf32, #tpu.memory_space<vmem>>, %arg6: memref<1x128xf32, #tpu.memory_space<vmem>>, %arg7: memref<128x10xf32, #tpu.memory_space<vmem>>, %arg8: memref<1x10xf32, #tpu.memory_space<vmem>>, %arg9: memref<128x10xf32, #tpu.memory_space<vmem>>) attributes {dimension_semantics = [], scalar_prefetch = 0 : i64, scratch_operands = 0 : i64, tpu.core_type = #tpu.core_type<tc>} {
    %get3A = arith.constant 0 : index
    %get3A_0 = arith.constant 0 : index
    %get3A_1 = vector.load %arg0[%get3A, %get3A_0] : memref<128x128xf32, #tpu.memory_space<vmem>>, vector<128x128xf32>
    %get3A_2 = arith.constant 0 : index
    %get3A_3 = arith.constant 0 : index
    %get3A_4 = vector.load %arg1[%get3A_2, %get3A_3] : memref<128x128xf32, #tpu.memory_space<vmem>>, vector<128x128xf32>
    %get3A_5 = arith.constant 0 : index
    %get3A_6 = arith.constant 0 : index
    %get3A_7 = vector.load %arg2[%get3A_5, %get3A_6] : memref<128x128xf32, #tpu.memory_space<vmem>>, vector<128x128xf32>
    %concatenate3A = tpu.concatenate %get3A_1, %get3A_4, %get3A_7 in 1 : vector<128x128xf32>, vector<128x128xf32>, vector<128x128xf32> -> vector<128x384xf32>
    %get3A_8 = arith.constant 0 : index
    %get3A_9 = arith.constant 0 : index
    %get3A_10 = vector.load %arg3[%get3A_8, %get3A_9] : memref<384x128xf32, #tpu.memory_space<vmem>>, vector<384x128xf32>
    %dot_general3A = arith.constant dense<0.000000e+00> : vector<128x128xf32>
    %dot_general3A_11 = tpu.matmul %concatenate3A, %get3A_10, %dot_general3A {dimension_numbers = #tpu.dot_dimension_numbers<[1], [0], [0], [1], [0, 0, 1, 1], [], []>, transpose_lhs_hint = false} : vector<128x384xf32>, vector<384x128xf32>, vector<128x128xf32> -> vector<128x128xf32>
    %get3A_12 = arith.constant 0 : index
    %get3A_13 = arith.constant 0 : index
    %get3A_14 = vector.load %arg4[%get3A_12, %get3A_13] : memref<1x128xf32, #tpu.memory_space<vmem>>, vector<1x128xf32>
    %add3A = vector.broadcast %get3A_14 : vector<1x128xf32> to vector<128x128xf32>
    %add3A_15 = arith.addf %dot_general3A_11, %add3A : vector<128x128xf32>
    %max3A = arith.constant 0.000000e+00 : f32
    %max3A_16 = vector.broadcast %max3A : f32 to vector<128x128xf32>
    %max3A_17 = arith.maximumf %add3A_15, %max3A_16 : vector<128x128xf32>
    %get3A_18 = arith.constant 0 : index
    %get3A_19 = arith.constant 0 : index
    %get3A_20 = vector.load %arg5[%get3A_18, %get3A_19] : memref<128x128xf32, #tpu.memory_space<vmem>>, vector<128x128xf32>
    %dot_general3A_21 = arith.constant dense<0.000000e+00> : vector<128x128xf32>
    %dot_general3A_22 = tpu.matmul %max3A_17, %get3A_20, %dot_general3A_21 {dimension_numbers = #tpu.dot_dimension_numbers<[1], [0], [0], [1], [0, 0, 1, 1], [], []>, transpose_lhs_hint = false} : vector<128x128xf32>, vector<128x128xf32>, vector<128x128xf32> -> vector<128x128xf32>
    %get3A_23 = arith.constant 0 : index
    %get3A_24 = arith.constant 0 : index
    %get3A_25 = vector.load %arg6[%get3A_23, %get3A_24] : memref<1x128xf32, #tpu.memory_space<vmem>>, vector<1x128xf32>
    %add3A_26 = vector.broadcast %get3A_25 : vector<1x128xf32> to vector<128x128xf32>
    %add3A_27 = arith.addf %dot_general3A_22, %add3A_26 : vector<128x128xf32>
    %max3A_28 = arith.constant 0.000000e+00 : f32
    %max3A_29 = vector.broadcast %max3A_28 : f32 to vector<128x128xf32>
    %max3A_30 = arith.maximumf %add3A_27, %max3A_29 : vector<128x128xf32>
    %get3A_31 = arith.constant 0 : index
    %get3A_32 = arith.constant 0 : index
    %get3A_33 = vector.load %arg7[%get3A_31, %get3A_32] : memref<128x10xf32, #tpu.memory_space<vmem>>, vector<128x10xf32>
    %dot_general3A_34 = arith.constant dense<0.000000e+00> : vector<128x10xf32>
    %dot_general3A_35 = tpu.matmul %max3A_30, %get3A_33, %dot_general3A_34 {dimension_numbers = #tpu.dot_dimension_numbers<[1], [0], [0], [1], [0, 0, 1, 1], [], []>, transpose_lhs_hint = false} : vector<128x128xf32>, vector<128x10xf32>, vector<128x10xf32> -> vector<128x10xf32>
    %get3A_36 = arith.constant 0 : index
    %get3A_37 = arith.constant 0 : index
    %get3A_38 = vector.load %arg8[%get3A_36, %get3A_37] : memref<1x10xf32, #tpu.memory_space<vmem>>, vector<1x10xf32>
    %add3A_39 = vector.broadcast %get3A_38 : vector<1x10xf32> to vector<128x10xf32>
    %add3A_40 = arith.addf %dot_general3A_35, %add3A_39 : vector<128x10xf32>
    %swap3A = arith.constant 0 : index
    %swap3A_41 = arith.constant 0 : index
    %swap3A_42 = vector.load %arg9[%swap3A, %swap3A_41] : memref<128x10xf32, #tpu.memory_space<vmem>>, vector<128x10xf32>
    tpu.vector_store %arg9[%swap3A, %swap3A_41], %add3A_40 {strides = array<i32>} : memref<128x10xf32, #tpu.memory_space<vmem>>, vector<128x10xf32>,
    return
  }
}

</mosaic_0001>

<sc_bundles>
// kernel: kernel.11.cloned.1.call-start
scs
__scs_entry_jumppad:
0x0: {  	(pc) =	sbr.rel $0x88, $3  }
0x1: {  	(tag) =	ssettag $0x0;
	lr =	simm.s32 $0x1  }
0x2: {  	[smem:$0x3F8A] =	sst lr;
	_ =	strace $0xD0000000  }
0x3: {  	_ = 	snop  }
0x4: {  	_ = 	snop  }
0x5: {  	_ = 	snop  }
0x6: {  	_ = 	snop  }
0x7: {  	_ = 	snop  }
__scs_overlays_trampoline_lowered:
0x8: {  	[smem:$0x3F99] =	sst s0  }
0x9: {  	[smem:$0x3F9A] =	sst s1  }
0xa: {  	[smem:$0x3F9B] =	sst s2  }
0xb: {  	[smem:$0x3F9C] =	sst s3  }
0xc: {  	[smem:$0x3F9D] =	sst s4  }
0xd: {  	[smem:$0x3F9E] =	sst s5  }
0xe: {  	[smem:$0x3F9F] =	sst s6  }
0xf: {  	[smem:$0x3FA0] =	sst s7  }
0x10: {  	[smem:$0x3FA1] =	sst s8  }
0x11: {  	[smem:$0x3FA2] =	sst s9;
	s0 =	simm.s32 @!p0 $0x0  }
0x12: {  	s1 =	sld [smem:$0x3F88];
	s0 =	simm.s32 @p0 $0x1  }
0x13: {  	[smem:$0x3FA3] =	sst s0;
	s0 =	simm.s32 @!p1 $0x0  }
0x14: {  	s2 =	sld [smem:$0x3F87];
	s0 =	simm.s32 @p1 $0x1  }
0x15: {  	[smem:$0x3FA4] =	sst s0;
	s0 =	simm.s32 @!p2 $0x0  }
0x16: {  	s3 =	sld [smem:$0x3FDB];
	s0 =	simm.s32 @p2 $0x1  }
0x17: {  	s4 =	simm.s32 $0x1BF5;
	[smem:$0x3FA6] =	sst s0  }
0x18: {  	s0 =	sld [smem:$0x3F89];
	_ =	swait.ge [sflag:s4], $0x0  }
0x19: {  	s7 =	sld [smem:$0x3F8A]  }
0x1a: {  	s8 =	sadd.s32 $0xFFFFE003, lr  }
0x1b: {  	s9 =	sadd.s32 $0xFFFFFEF7, lr;
	s5 =	simm.s32 $0xFFFFFFFF;
	p2 =	slt.u32 s8, $0xFFFFF086  }
0x1c: {  	p1 =	slt.u32 s9, $0xF7A;
	s5 =	simm.s32 @!p2 $0x0  }
0x1d: {  	s5 =	simm.s32 @p1 $0x1;
	p0 =	seq.s32 s7, s2  }
0x1e: {  	s7 =	smul.u32 @!p0 $0xF7A, s2;
	p2 =	seq.s32 @!p0 s5, $0x0  }
0x1f: {  	s9 =	smul.u32 $0xF7A, s1;
	s8 =	simm.s32 @!p0 $0x1BF5;
	p2 =	por !p2, p0  }
0x20: {  	[sflag:s8] =	ssyncset.s32 @!p0 $0xFFFFF086;
	s6 =	sadd.s32 @!p0 s3, s7;
	s7 =	simm.s32 @!p0 $0x108  }
0x21: {  	s3 =	sadd.s32 s3, s9;
	s6 =	sadd.s32 @!p0 $0x88, s6;
	s7 =	simm.s32 @p2 $0x1082  }
0x22: {  	[simem:s7], [sflag:s8] =	dma.local @!p0 [hbm:s6], $0xF7A  }
0x23: {  	s9 =	sor.u32 $0xD0000000, s2;
	s6 =	simm.s32 $0x108;
	_ =	swait.ge @!p0 [sflag:s8], $0x0  }
0x24: {  	s3 =	sadd.s32 $0x88, s3;
	s6 =	simm.s32 @!p1 $0x1082;
	[sflag:s4] =	ssyncset.s32 $0xFFFFF086  }
0x25: {  	[simem:s6], [sflag:s4] =	dma.local [hbm:s3], $0xF7A  }
0x26: {  	[smem:$0x3F8A] =	sst s1;
	(tag) =	ssettag s2;
	_ =	strace s9  }
0x27: {  	s1 =	sld [smem:$0x3F9A]  }
0x28: {  	s2 =	sld [smem:$0x3F9B]  }
0x29: {  	s4 =	sld [smem:$0x3F9D]  }
0x2a: {  	p0 =	seq.s32 s5, $0x0;
	s5 =	sld [smem:$0x3F9E]  }
0x2b: {  	s6 =	sld [smem:$0x3F9F]  }
0x2c: {  	s7 =	sld [smem:$0x3FA0]  }
0x2d: {  	s3 =	simm.s32 $0x108;
	s8 =	sld [smem:$0x3FA1]  }
0x2e: {  	s3 =	simm.s32 @!p0 $0x1082;
	s9 =	sld [smem:$0x3FA2]  }
0x2f: {  	lr =	sadd.s32 s0, s3;
	s0 =	sld [smem:$0x3F99]  }
0x30: {  	s3 =	sld [smem:$0x3F9C]  }
0x31: {  	[smem:$0x3FA5] =	sst s10  }
0x32: {  	s10 =	sld [smem:$0x3FA3];
	_ =	sdelay $0x3  }
0x33: {  	p0 =	seq.s32 s10, $0x1;
	s10 =	sld [smem:$0x3FA5];
	_ =	sdelay $0x3  }
0x34: {  	[smem:$0x3FA5] =	sst s10  }
0x35: {  	s10 =	sld [smem:$0x3FA4];
	_ =	sdelay $0x3  }
0x36: {  	p1 =	seq.s32 s10, $0x1;
	s10 =	sld [smem:$0x3FA5];
	_ =	sdelay $0x3  }
0x37: {  	[smem:$0x3FA5] =	sst s10  }
0x38: {  	s10 =	sld [smem:$0x3FA6]  }
0x39: {  	_ = 	snop;
	(pc) =	sbr.ind lr, $3  }
0x3a: {  	_ = 	snop  }
0x3b: {  	_ = 	snop  }
0x3c: {  	p2 =	seq.s32 s10, $0x1;
	s10 =	sld [smem:$0x3FA5]  }
0x3d: {  	_ =	shalt  }
0x3e: {  	_ =	shalt  }
0x3f: {  	_ =	shalt  }
0x40: {  	_ =	shalt  }
0x41: {  	_ =	shalt  }
0x42: {  	_ =	shalt  }
0x43: {  	_ =	shalt  }
0x44: {  	_ =	shalt  }
0x45: {  	_ =	shalt  }
0x46: {  	_ =	shalt  }
0x47: {  	_ =	shalt  }
0x48: {  	_ =	shalt  }
0x49: {  	_ =	shalt  }
0x4a: {  	_ =	shalt  }
0x4b: {  	_ =	shalt  }
0x4c: {  	_ =	shalt  }
0x4d: {  	_ =	shalt  }
0x4e: {  	_ =	shalt  }
0x4f: {  	_ =	shalt  }
0x50: {  	_ =	shalt  }
0x51: {  	_ =	shalt  }
0x52: {  	_ =	shalt  }
0x53: {  	_ =	shalt  }
0x54: {  	_ =	shalt  }
0x55: {  	_ =	shalt  }
0x56: {  	_ =	shalt  }
0x57: {  	_ =	shalt  }
0x58: {  	_ =	shalt  }
0x59: {  	_ =	shalt  }
0x5a: {  	_ =	shalt  }
0x5b: {  	_ =	shalt  }
0x5c: {  	_ =	shalt  }
0x5d: {  	_ =	shalt  }
0x5e: {  	_ =	shalt  }
0x5f: {  	_ =	shalt  }
0x60: {  	_ =	shalt  }
0x61: {  	_ =	shalt  }
0x62: {  	_ =	shalt  }
0x63: {  	_ =	shalt  }
0x64: {  	_ =	shalt  }
0x65: {  	_ =	shalt  }
0x66: {  	_ =	shalt  }
0x67: {  	_ =	shalt  }
0x68: {  	_ =	shalt  }
0x69: {  	_ =	shalt  }
0x6a: {  	_ =	shalt  }
0x6b: {  	_ =	shalt  }
0x6c: {  	_ =	shalt  }
0x6d: {  	_ =	shalt  }
0x6e: {  	_ =	shalt  }
0x6f: {  	_ =	shalt  }
0x70: {  	_ =	shalt  }
0x71: {  	_ =	shalt  }
0x72: {  	_ =	shalt  }
0x73: {  	_ =	shalt  }
0x74: {  	_ =	shalt  }
0x75: {  	_ =	shalt  }
0x76: {  	_ =	shalt  }
0x77: {  	_ =	shalt  }
0x78: {  	_ =	shalt  }
0x79: {  	_ =	shalt  }
0x7a: {  	_ =	shalt  }
0x7b: {  	_ =	shalt  }
0x7c: {  	_ =	shalt  }
0x7d: {  	_ =	shalt  }
0x7e: {  	_ =	shalt  }
0x7f: {  	_ =	shalt  }
0x80: {  	_ =	shalt  }
0x81: {  	_ =	shalt  }
0x82: {  	_ =	shalt  }
0x83: {  	_ =	shalt  }
0x84: {  	_ =	shalt  }
0x85: {  	_ =	shalt  }
0x86: {  	_ =	shalt  }
0x87: {  	_ =	shalt  }
.Lfunc_end0:
.L_simem_size_0:
called_computation_lowered:
.L_overlay_start_0:
0x88: {  	s2 =	sld [smem:$0x3FD9]  }
0x89: {  	s3 =	sld [smem:$0x3FFE];
	_ =	sdelay $0x1  }
0x8a: {  	s1 =	srdreg.scid  }
0x8b: {  	s0 =	sand.u32 $0x1, s1  }
0x8c: {  	s16 =	sshll.u32 s0, $0xA;
	s2 =	sadd.s32 s3, s2  }
0x8d: {  	s2 =	sadd.s32 s2, s16  }
0x8e: {  	[smem:$0x3FB1] =	sst s2  }
0x8f: {  	_ = 	snop  }
0x90: {  	(tm) =	ssettm $0x1  }
0x91: {  	s17 =	sld [smem:$0x3FFB];
	_ =	sdelay $0x3  }
0x92: {  	_ =	strace s17  }
0x93: {  	s2 =	sld [smem:$0x3FFC];
	_ =	sdelay $0x3  }
0x94: {  	_ =	strace s2  }
0x95: {  	s2 =	sld [smem:$0x3FFD];
	_ =	sdelay $0x3  }
0x96: {  	_ =	strace s2  }
0x97: {  	_ =	strace $0x8FFFFFFF  }
0x98: {  	s18 =	sld [smem:$0x3FDB];
	_ =	sdelay $0x1  }
0x99: {  	s19 =	simm.s32 $_scs_section_size  }
0x9a: {  	s4 =	simm.s32 $_size__tile_overlayer_lowered;
	s5 =	simm.s32 $_tile_overlayer_lowered  }
0x9b: {  	s22 =	simm.s32 $0x1BFF;
	s21 =	sshll.u32 s5, $0x1;
	s2 =	sadd.s32 s19, s18  }
0x9c: {  	s6 =	simm.s32 $0x0;
	s20 =	sshll.u32 s4, $0x1;
	s4 =	sadd.s32 s21, s2  }
0x9d: {  	[timem:s6], [sflag:s22] =	dma.local [hbm:s4], s20  }
0x9e: {  	_ =	swait.ge [sflag:s22], s20  }
0x9f: {  	s3 =	ssub.s32 $0x0, s20;
	[sflag:s22] =	ssyncset.done $0x0  }
0xa0: {  	[sflag:s22] =	ssyncadd.s32 s3;
	_ =	sdelay $0x1  }
0xa1: {  	s23 =	simm.s32 $0x1B8B  }
0xa2: {  	_ =	swait.ge [sflag:s23], $0x1  }
0xa3: {  	[sflag:s23] =	ssyncset.done $0x0  }
0xa4: {  	s25 =	simm.s32 $0x1B8E;
	s24 =	sld [smem:$0x3FFE];
	[sflag:s23] =	ssyncadd.s32 $0xFFFFFFFF  }
0xa5: {  	s26 =	simm.s32 $execute0_lowered;
	[smem:$0x3FD2] =	sst s25  }
0xa6: {  	s4 =	sshll.u32 s26, $0x1;
	_ =	strace $0x80000046;
	[dreg:$0x1] =	wrdreg $0xFFFFFFFF  }
0xa7: {  	s28 =	simm.s32 $_size_execute0_lowered;
	s2 =	sadd.s32 s2, s4;
	[dreg:$0x0] =	wrdreg $0x0  }
0xa8: {  	s4 =	sshll.u32 s28, $0x1;
	[dreg:$0x2] =	wrdreg s2  }
0xa9: {  	[dreg:$0x3] =	wrdreg s4  }
0xaa: {  	[dreg:$0x4] =	wrdreg $0xC0  }
0xab: {  	_ =	task [dreg:s6], $0x5FFFF  }
0xac: {  	[dreg:$0x1] =	wrdreg $0xFFFFFFFF  }
0xad: {  	[dreg:$0x0] =	wrdreg $0x60  }
0xae: {  	[dreg:$0x2] =	wrdreg s24  }
0xaf: {  	[dreg:$0x3] =	wrdreg $0x68000  }
0xb0: {  	[dreg:$0x4] =	wrdreg $0x9  }
0xb1: {  	_ =	task.clear_ibuf [dreg:s6], $0x5FFFF;
	_ =	strace $0x90000046  }
0xb2: {  	s29 =	simm.s32 $0x9;
	_ =	strace $0x80000048  }
0xb3: {  	_ =	swait.ge [sflag:s29], $0x1  }
0xb4: {  	[sflag:s29] =	ssyncadd.s32 $0xFFFFFFFF  }
0xb5: {  	_ =	strace $0x90000048  }
0xb6: {  	_ =	sfence  }
0xb7: {  	s30 =	sld [smem:$0x0];
	_ =	sdelay $0x2  }
0xb8: {  	s31 =	sshll.u32 s1, $0xD;
	s1 =	sshrl.u32 s1, $0x2  }
0xb9: {  	s3 =	sand.u32 $0x4000, s31;
	s1 =	sadd.s32 s1, s30  }
0xba: {  	s0 =	sor.u32 s3, s0;
	s1 =	sshll.u32 s1, $0x11  }
0xbb: {  	s0 =	sor.u32 s1, s0  }
0xbc: {  	s0 =	sadd.s32 $0x8F2B, s0  }
0xbd: {  	[sflag:s0] =	ssyncadd.remote.s32 $0x1  }
0xbe: {  	_ =	sfence.sel $0xFFFF  }
0xbf: {  	[dreg:$0x0] =	wrdreg $0xFFFFFFFF;
	(pc) =	sbr.abs _section_cstart, $3  }
0xc0: {  	[dreg:$0x1] =	wrdreg $0xFFFFFFFF  }
0xc1: {  	_ =	task.clear_ibuf [dreg:s6], $0x2FFFF;
	_ =	strace $0x9FFFFFFF  }
0xc2: {  	(tm) =	ssettm $0x7FFFFFFF  }
0xc3: {  	_ =	shalt  }
tec
execute0_lowered:
.L_overlay_start_1:
0x0: {  	(tag) =	ssettag $0x1  }
0x1: {  	s1 =	srdreg.scid  }
0x2: {  	s0 =	stileid.u32;
	s5 =	rddreg [dreg:$0x0]  }
0x3: {  	s2 =	rddreg [dreg:$0x1];
	s3 =	simm.s32 $0x0;
	s6 =	sand.u32 $0x1, s1  }
0x4: {  	s28 =	sshll.u32 s0, $0x1;
	s1 =	rddreg [dreg:$0x2];
	s13 =	smul.u32 $0x2780, s0  }
0x5: {  	[smem:$0x7FF] =	sst s3;
	s9 =	smul.u32 $0x4F000, s0;
	s31 =	sshll.u32 s0, $0x6  }
0x6: {  	s4 =	sor.u32 s6, s28;
	_ =	strace $0x80000047;
	s8 =	smul.u32 $0x27800, s6  }
0x7: {  	s6 =	ssub.s32 $0x2, s6;
	s4 =	smul.u32 $0x500, s4;
	s10 =	sadd.s32 s13, s5  }
0x8: {  	s29 =	sshrl.u32 s6, $0x1;
	s30 =	sshrl.u32 s9, $0x2;
	s9 =	simm.s32 $0x2800  }
0x9: {  	s8 =	sadd.s32 s8, s5;
	s11 =	ssub.s32 s6, s29;
	s12 =	sadd.s32 s30, s2  }
0xa: {  	s6 =	sadd.s32 $0x10200, s10;
	s10 =	sor.u32 $0x1C01, s31;
	s7 =	sadd.s32 s4, s5  }
0xb: {  	s4 =	sadd.s32 $0xFA00, s5;
	s14 =	sadd.s32 $0x37A00, s8;
	s8 =	simm.s32 $0x1  }
0xc: {  	s5 =	sadd.s32 $0x5A00, s7;
	s7 =	smax.u32 s11, $0x1;
	s11 =	sshrl.u32 s12, $0x3  }
0xd: {  	s12 =	simm.s32 $0x80;
	s13 =	sadd.s32 s13, s14;
	s14 =	simm.s32 $0x0  }
.LBB2_1:
0xe: {  	[tilespmem:s3], [sflag:$0x1] =	stream.linear.gather [hbm4b:s5+s3], $0x2780, $0x38;
	[tilespmem:$0x1A400] =	vst v63  }
0xf: {  	_ =	swait.ge [sflag:s8], $0x2780  }
0x10: {  	[sflag:s8] =	ssyncset.done $0x0  }
0x11: {  	[sflag:s8] =	ssyncadd.s32 $0xFFFFD880  }
0x12: {  	[tilespmem:s9], [sflag:$0x1] =	stream.linear.gather [hbm4b:s4+s3], $0x4000, $0x38;
	[tilespmem:$0x1A400] =	vst v63  }
0x13: {  	_ =	swait.ge [sflag:s8], $0x4000  }
0x14: {  	[sflag:s8] =	ssyncset.done $0x0  }
0x15: {  	[sflag:s8] =	ssyncadd.s32 $0xFFFFC000  }
0x16: {  	[spmem:s11], [sflag:s10] =	dma.local [hbm:s6], $0x2780  }
0x17: {  	_ =	swait.ge [sflag:s8], $0x2780  }
0x18: {  	[sflag:s8] =	ssyncset.done $0x0  }
0x19: {  	[sflag:s8] =	ssyncadd.s32 $0xFFFFD880  }
0x1a: {  	s15 =	simm.s32 $0x0;
	[bflag:$0x0] =	sbarrier.arrive $0xFFFF  }
0x1b: {  	[spmem:s2] =	stream.indirect.scatter.add.f32 [tilespmem:s9], [sflag:$0x1], $0x80, s15, s12, $0xb8;
	[tilespmem:$0x1A400] =	vst v63  }
0x1c: {  	_ =	swait.ge [sflag:s8], $0x4000  }
0x1d: {  	s15 =	simm.s32 $0x200;
	[sflag:s8] =	ssyncset.done $0x0  }
.LBB2_2:
0x1e: {  	s16 =	sshra.s32 s15, $0x2;
	[sflag:s8] =	ssyncadd.s32 $0xFFFFC000;
	p0 =	sne.s32 s15, $0x9C00  }
0x1f: {  	[spmem:s2] =	stream.indirect.scatter.add.f32 [tilespmem:s9], [sflag:$0x1], $0x80, s16, s12, $0xb8;
	[tilespmem:$0x1A400] =	vst v63  }
.Ltmp0:
0x20: {  	_ = 	snop;
	(pc) =	sbr.rel @p0 .LBB2_2-.Ltmp0, $4  }
0x21: {  	_ = 	snop  }
0x22: {  	s15 =	sadd.s32 $0x200, s15  }
0x23: {  	_ =	swait.ge [sflag:s8], $0x4000  }
0x24: {  	[sflag:s8] =	ssyncset.done $0x0  }
0x25: {  	s14 =	sadd.s32 $0x1, s14  }
0x26: {  	[sflag:s8] =	ssyncadd.s32 $0xFFFFC000;
	p0 =	sne.s32 s14, s7  }
.Ltmp1:
0x27: {  	[bflag:$0x0] =	sbarrier.arrive $0xFFFF;
	(pc) =	sbr.rel @p0 .LBB2_1-.Ltmp1, $4  }
0x28: {  	[hbm:s13], [sflag:s10] =	dma.local [spmem:s11], $0x2780  }
0x29: {  	_ =	swait.ge [sflag:s8], $0x2780  }
0x2a: {  	[sflag:s8] =	ssyncset.done $0x0  }
0x2b: {  	[sflag:s8] =	ssyncadd.s32 $0xFFFFD880  }
0x2c: {  	_ =	sfence.sel $0x180000  }
0x2d: {  	[bflag:$0x0] =	sbarrier.arrive $0xFFFF  }
0x2e: {  	p0 =	sne.s32 s0, $0x0;
	_ =	strace $0x90000047  }
0x2f: {  	s0 =	sadd.s32 @!p0 $0x100000, s1;
	[bflag:$0x2] =	sbarrier.arrive $0xFFFF  }
0x30: {  	[sflag:s0] =	ssyncadd.tile.s32 @!p0 $0x1;
	_ =	shalt  }
.Lfunc_end2:
_tile_overlayer_lowered:
.L_overlay_start_2:
0x31: {  	(tag) =	ssettag $0x2  }
0x32: {  	s0 =	rddreg [dreg:$0x0];
	s2 =	stileid.u32  }
0x33: {  	s1 =	rddreg [dreg:$0x1];
	p0 =	sne.s32 s2, $0x0  }
0x34: {  	s3 =	rddreg [dreg:$0x2];
	[bflag:$0x3] =	sbarrier.arrive $0xFFFF;
	s2 =	simm.s32 @!p0 $0x1C01  }
0x35: {  	[timem:s3], [sflag:s2] =	dma.local @!p0 [hbm:s0], s1  }
0x36: {  	s0 =	simm.s32 @!p0 $0x1  }
0x37: {  	_ =	swait.ge @!p0 [sflag:s0], s1  }
0x38: {  	s1 =	ssub.s32 @!p0 $0x0, s1;
	[sflag:s0] =	ssyncset.done @!p0 $0x0  }
0x39: {  	[sflag:s0] =	ssyncadd.s32 @!p0 s1  }
0x3a: {  	[bflag:$0x3] =	sbarrier.arrive $0xFFFF  }
0x3b: {  	_ =	shalt  }

// kernel: kernel.14.cloned.1.call-start
scs
__scs_entry_jumppad:
0x0: {  	(pc) =	sbr.rel $0x88, $3  }
0x1: {  	(tag) =	ssettag $0x0;
	lr =	simm.s32 $0x1  }
0x2: {  	[smem:$0x3F8A] =	sst lr;
	_ =	strace $0xD0000000  }
0x3: {  	_ = 	snop  }
0x4: {  	_ = 	snop  }
0x5: {  	_ = 	snop  }
0x6: {  	_ = 	snop  }
0x7: {  	_ = 	snop  }
__scs_overlays_trampoline_lowered:
0x8: {  	[smem:$0x3F99] =	sst s0  }
0x9: {  	[smem:$0x3F9A] =	sst s1  }
0xa: {  	[smem:$0x3F9B] =	sst s2  }
0xb: {  	[smem:$0x3F9C] =	sst s3  }
0xc: {  	[smem:$0x3F9D] =	sst s4  }
0xd: {  	[smem:$0x3F9E] =	sst s5  }
0xe: {  	[smem:$0x3F9F] =	sst s6  }
0xf: {  	[smem:$0x3FA0] =	sst s7  }
0x10: {  	[smem:$0x3FA1] =	sst s8  }
0x11: {  	[smem:$0x3FA2] =	sst s9;
	s0 =	simm.s32 @!p0 $0x0  }
0x12: {  	s1 =	sld [smem:$0x3F88];
	s0 =	simm.s32 @p0 $0x1  }
0x13: {  	[smem:$0x3FA3] =	sst s0;
	s0 =	simm.s32 @!p1 $0x0  }
0x14: {  	s2 =	sld [smem:$0x3F87];
	s0 =	simm.s32 @p1 $0x1  }
0x15: {  	[smem:$0x3FA4] =	sst s0;
	s0 =	simm.s32 @!p2 $0x0  }
0x16: {  	s3 =	sld [smem:$0x3FDB];
	s0 =	simm.s32 @p2 $0x1  }
0x17: {  	s4 =	simm.s32 $0x1BF5;
	[smem:$0x3FA6] =	sst s0  }
0x18: {  	s0 =	sld [smem:$0x3F89];
	_ =	swait.ge [sflag:s4], $0x0  }
0x19: {  	s7 =	sld [smem:$0x3F8A]  }
0x1a: {  	s8 =	sadd.s32 $0xFFFFE003, lr  }
0x1b: {  	s9 =	sadd.s32 $0xFFFFFEF7, lr;
	s5 =	simm.s32 $0xFFFFFFFF;
	p2 =	slt.u32 s8, $0xFFFFF086  }
0x1c: {  	p1 =	slt.u32 s9, $0xF7A;
	s5 =	simm.s32 @!p2 $0x0  }
0x1d: {  	s5 =	simm.s32 @p1 $0x1;
	p0 =	seq.s32 s7, s2  }
0x1e: {  	s7 =	smul.u32 @!p0 $0xF7A, s2;
	p2 =	seq.s32 @!p0 s5, $0x0  }
0x1f: {  	s9 =	smul.u32 $0xF7A, s1;
	s8 =	simm.s32 @!p0 $0x1BF5;
	p2 =	por !p2, p0  }
0x20: {  	[sflag:s8] =	ssyncset.s32 @!p0 $0xFFFFF086;
	s6 =	sadd.s32 @!p0 s3, s7;
	s7 =	simm.s32 @!p0 $0x108  }
0x21: {  	s3 =	sadd.s32 s3, s9;
	s6 =	sadd.s32 @!p0 $0x88, s6;
	s7 =	simm.s32 @p2 $0x1082  }
0x22: {  	[simem:s7], [sflag:s8] =	dma.local @!p0 [hbm:s6], $0xF7A  }
0x23: {  	s9 =	sor.u32 $0xD0000000, s2;
	s6 =	simm.s32 $0x108;
	_ =	swait.ge @!p0 [sflag:s8], $0x0  }
0x24: {  	s3 =	sadd.s32 $0x88, s3;
	s6 =	simm.s32 @!p1 $0x1082;
	[sflag:s4] =	ssyncset.s32 $0xFFFFF086  }
0x25: {  	[simem:s6], [sflag:s4] =	dma.local [hbm:s3], $0xF7A  }
0x26: {  	[smem:$0x3F8A] =	sst s1;
	(tag) =	ssettag s2;
	_ =	strace s9  }
0x27: {  	s1 =	sld [smem:$0x3F9A]  }
0x28: {  	s2 =	sld [smem:$0x3F9B]  }
0x29: {  	s4 =	sld [smem:$0x3F9D]  }
0x2a: {  	p0 =	seq.s32 s5, $0x0;
	s5 =	sld [smem:$0x3F9E]  }
0x2b: {  	s6 =	sld [smem:$0x3F9F]  }
0x2c: {  	s7 =	sld [smem:$0x3FA0]  }
0x2d: {  	s3 =	simm.s32 $0x108;
	s8 =	sld [smem:$0x3FA1]  }
0x2e: {  	s3 =	simm.s32 @!p0 $0x1082;
	s9 =	sld [smem:$0x3FA2]  }
0x2f: {  	lr =	sadd.s32 s0, s3;
	s0 =	sld [smem:$0x3F99]  }
0x30: {  	s3 =	sld [smem:$0x3F9C]  }
0x31: {  	[smem:$0x3FA5] =	sst s10  }
0x32: {  	s10 =	sld [smem:$0x3FA3];
	_ =	sdelay $0x3  }
0x33: {  	p0 =	seq.s32 s10, $0x1;
	s10 =	sld [smem:$0x3FA5];
	_ =	sdelay $0x3  }
0x34: {  	[smem:$0x3FA5] =	sst s10  }
0x35: {  	s10 =	sld [smem:$0x3FA4];
	_ =	sdelay $0x3  }
0x36: {  	p1 =	seq.s32 s10, $0x1;
	s10 =	sld [smem:$0x3FA5];
	_ =	sdelay $0x3  }
0x37: {  	[smem:$0x3FA5] =	sst s10  }
0x38: {  	s10 =	sld [smem:$0x3FA6]  }
0x39: {  	_ = 	snop;
	(pc) =	sbr.ind lr, $3  }
0x3a: {  	_ = 	snop  }
0x3b: {  	_ = 	snop  }
0x3c: {  	p2 =	seq.s32 s10, $0x1;
	s10 =	sld [smem:$0x3FA5]  }
0x3d: {  	_ =	shalt  }
0x3e: {  	_ =	shalt  }
0x3f: {  	_ =	shalt  }
0x40: {  	_ =	shalt  }
0x41: {  	_ =	shalt  }
0x42: {  	_ =	shalt  }
0x43: {  	_ =	shalt  }
0x44: {  	_ =	shalt  }
0x45: {  	_ =	shalt  }
0x46: {  	_ =	shalt  }
0x47: {  	_ =	shalt  }
0x48: {  	_ =	shalt  }
0x49: {  	_ =	shalt  }
0x4a: {  	_ =	shalt  }
0x4b: {  	_ =	shalt  }
0x4c: {  	_ =	shalt  }
0x4d: {  	_ =	shalt  }
0x4e: {  	_ =	shalt  }
0x4f: {  	_ =	shalt  }
0x50: {  	_ =	shalt  }
0x51: {  	_ =	shalt  }
0x52: {  	_ =	shalt  }
0x53: {  	_ =	shalt  }
0x54: {  	_ =	shalt  }
0x55: {  	_ =	shalt  }
0x56: {  	_ =	shalt  }
0x57: {  	_ =	shalt  }
0x58: {  	_ =	shalt  }
0x59: {  	_ =	shalt  }
0x5a: {  	_ =	shalt  }
0x5b: {  	_ =	shalt  }
0x5c: {  	_ =	shalt  }
0x5d: {  	_ =	shalt  }
0x5e: {  	_ =	shalt  }
0x5f: {  	_ =	shalt  }
0x60: {  	_ =	shalt  }
0x61: {  	_ =	shalt  }
0x62: {  	_ =	shalt  }
0x63: {  	_ =	shalt  }
0x64: {  	_ =	shalt  }
0x65: {  	_ =	shalt  }
0x66: {  	_ =	shalt  }
0x67: {  	_ =	shalt  }
0x68: {  	_ =	shalt  }
0x69: {  	_ =	shalt  }
0x6a: {  	_ =	shalt  }
0x6b: {  	_ =	shalt  }
0x6c: {  	_ =	shalt  }
0x6d: {  	_ =	shalt  }
0x6e: {  	_ =	shalt  }
0x6f: {  	_ =	shalt  }
0x70: {  	_ =	shalt  }
0x71: {  	_ =	shalt  }
0x72: {  	_ =	shalt  }
0x73: {  	_ =	shalt  }
0x74: {  	_ =	shalt  }
0x75: {  	_ =	shalt  }
0x76: {  	_ =	shalt  }
0x77: {  	_ =	shalt  }
0x78: {  	_ =	shalt  }
0x79: {  	_ =	shalt  }
0x7a: {  	_ =	shalt  }
0x7b: {  	_ =	shalt  }
0x7c: {  	_ =	shalt  }
0x7d: {  	_ =	shalt  }
0x7e: {  	_ =	shalt  }
0x7f: {  	_ =	shalt  }
0x80: {  	_ =	shalt  }
0x81: {  	_ =	shalt  }
0x82: {  	_ =	shalt  }
0x83: {  	_ =	shalt  }
0x84: {  	_ =	shalt  }
0x85: {  	_ =	shalt  }
0x86: {  	_ =	shalt  }
0x87: {  	_ =	shalt  }
.Lfunc_end0:
.L_simem_size_0:
called_computation.1_lowered:
.L_overlay_start_0:
0x88: {  	s2 =	sld [smem:$0x3FD9]  }
0x89: {  	s3 =	sld [smem:$0x3FFE];
	_ =	sdelay $0x1  }
0x8a: {  	s1 =	srdreg.scid  }
0x8b: {  	s0 =	sand.u32 $0x1, s1  }
0x8c: {  	s16 =	sshll.u32 s0, $0xA;
	s2 =	sadd.s32 s3, s2  }
0x8d: {  	s2 =	sadd.s32 s2, s16  }
0x8e: {  	[smem:$0x3FB1] =	sst s2  }
0x8f: {  	_ = 	snop  }
0x90: {  	(tm) =	ssettm $0x1  }
0x91: {  	s17 =	sld [smem:$0x3FFB];
	_ =	sdelay $0x3  }
0x92: {  	_ =	strace s17  }
0x93: {  	s2 =	sld [smem:$0x3FFC];
	_ =	sdelay $0x3  }
0x94: {  	_ =	strace s2  }
0x95: {  	s2 =	sld [smem:$0x3FFD];
	_ =	sdelay $0x3  }
0x96: {  	_ =	strace s2  }
0x97: {  	_ =	strace $0x8FFFFFFF  }
0x98: {  	s18 =	sld [smem:$0x3FDB];
	_ =	sdelay $0x1  }
0x99: {  	s19 =	simm.s32 $_scs_section_size  }
0x9a: {  	s4 =	simm.s32 $_size__tile_overlayer_lowered;
	s5 =	simm.s32 $_tile_overlayer_lowered  }
0x9b: {  	s22 =	simm.s32 $0x1BFF;
	s21 =	sshll.u32 s5, $0x1;
	s2 =	sadd.s32 s19, s18  }
0x9c: {  	s6 =	simm.s32 $0x0;
	s20 =	sshll.u32 s4, $0x1;
	s4 =	sadd.s32 s21, s2  }
0x9d: {  	[timem:s6], [sflag:s22] =	dma.local [hbm:s4], s20  }
0x9e: {  	_ =	swait.ge [sflag:s22], s20  }
0x9f: {  	s3 =	ssub.s32 $0x0, s20;
	[sflag:s22] =	ssyncset.done $0x0  }
0xa0: {  	[sflag:s22] =	ssyncadd.s32 s3;
	_ =	sdelay $0x1  }
0xa1: {  	s23 =	simm.s32 $0x1B8B  }
0xa2: {  	_ =	swait.ge [sflag:s23], $0x1  }
0xa3: {  	[sflag:s23] =	ssyncset.done $0x0  }
0xa4: {  	s25 =	simm.s32 $0x1B8E;
	s24 =	sld [smem:$0x3FFE];
	[sflag:s23] =	ssyncadd.s32 $0xFFFFFFFF  }
0xa5: {  	s26 =	simm.s32 $execute0_lowered;
	[smem:$0x3FD2] =	sst s25  }
0xa6: {  	s4 =	sshll.u32 s26, $0x1;
	_ =	strace $0x80000049;
	[dreg:$0x1] =	wrdreg $0xFFFFFFFF  }
0xa7: {  	s28 =	simm.s32 $_size_execute0_lowered;
	s2 =	sadd.s32 s2, s4;
	[dreg:$0x0] =	wrdreg $0x0  }
0xa8: {  	s4 =	sshll.u32 s28, $0x1;
	[dreg:$0x2] =	wrdreg s2  }
0xa9: {  	[dreg:$0x3] =	wrdreg s4  }
0xaa: {  	[dreg:$0x4] =	wrdreg $0xC0  }
0xab: {  	_ =	task [dreg:s6], $0x5FFFF  }
0xac: {  	[dreg:$0x1] =	wrdreg $0xFFFFFFFF  }
0xad: {  	[dreg:$0x0] =	wrdreg $0x60  }
0xae: {  	[dreg:$0x2] =	wrdreg s24  }
0xaf: {  	[dreg:$0x3] =	wrdreg $0xA8000  }
0xb0: {  	[dreg:$0x4] =	wrdreg $0x9  }
0xb1: {  	_ =	task.clear_ibuf [dreg:s6], $0x5FFFF;
	_ =	strace $0x90000049  }
0xb2: {  	s29 =	simm.s32 $0x9;
	_ =	strace $0x8000004B  }
0xb3: {  	_ =	swait.ge [sflag:s29], $0x1  }
0xb4: {  	[sflag:s29] =	ssyncadd.s32 $0xFFFFFFFF  }
0xb5: {  	_ =	strace $0x9000004B  }
0xb6: {  	_ =	sfence  }
0xb7: {  	s30 =	sld [smem:$0x0];
	_ =	sdelay $0x2  }
0xb8: {  	s31 =	sshll.u32 s1, $0xD;
	s1 =	sshrl.u32 s1, $0x2  }
0xb9: {  	s3 =	sand.u32 $0x4000, s31;
	s1 =	sadd.s32 s1, s30  }
0xba: {  	s0 =	sor.u32 s3, s0;
	s1 =	sshll.u32 s1, $0x11  }
0xbb: {  	s0 =	sor.u32 s1, s0  }
0xbc: {  	s0 =	sadd.s32 $0x8F2B, s0  }
0xbd: {  	[sflag:s0] =	ssyncadd.remote.s32 $0x1  }
0xbe: {  	_ =	sfence.sel $0xFFFF  }
0xbf: {  	[dreg:$0x0] =	wrdreg $0xFFFFFFFF;
	(pc) =	sbr.abs _section_cstart, $3  }
0xc0: {  	[dreg:$0x1] =	wrdreg $0xFFFFFFFF  }
0xc1: {  	_ =	task.clear_ibuf [dreg:s6], $0x2FFFF;
	_ =	strace $0x9FFFFFFF  }
0xc2: {  	(tm) =	ssettm $0x7FFFFFFF  }
0xc3: {  	_ =	shalt  }
tec
execute0_lowered:
.L_overlay_start_1:
0x0: {  	(tag) =	ssettag $0x1  }
0x1: {  	s1 =	srdreg.scid;
	s5 =	rddreg [dreg:$0x0]  }
0x2: {  	s0 =	stileid.u32;
	s2 =	rddreg [dreg:$0x1];
	s3 =	simm.s32 $0x0  }
0x3: {  	s14 =	simm.s32 $0x6800;
	s15 =	simm.s32 $0x1;
	s8 =	sand.u32 $0x1, s1  }
0x4: {  	s28 =	sshll.u32 s0, $0x1;
	s1 =	rddreg [dreg:$0x2];
	s16 =	smul.u32 $0x2780, s0  }
0x5: {  	[smem:$0x7FF] =	sst s3;
	s10 =	smul.u32 $0x4F000, s0;
	s31 =	sshll.u32 s0, $0x6  }
0x6: {  	s4 =	sor.u32 s8, s28;
	_ =	strace $0x8000004A;
	s7 =	smul.u32 $0x27800, s8  }
0x7: {  	s9 =	ssub.s32 $0x2, s8;
	p0 =	seq.s32 s8, $0x0;
	s8 =	simm.s32 $0x63  }
0x8: {  	s6 =	smul.u32 $0x680, s4;
	s4 =	sadd.s32 $0x37A00, s5;
	s11 =	sadd.s32 s16, s5  }
0x9: {  	s12 =	sshrl.u32 s9, $0x1;
	s29 =	sshrl.u32 s10, $0x2;
	s8 =	simm.s32 @!p0 $0x3A  }
0xa: {  	s10 =	simm.s32 $0x2;
	s13 =	sadd.s32 s7, s5;
	s9 =	ssub.s32 s9, s12  }
0xb: {  	s30 =	sadd.s32 s29, s2;
	s7 =	sadd.s32 $0x10200, s11;
	s11 =	sor.u32 $0x1C02, s31  }
0xc: {  	s6 =	sadd.s32 s6, s5;
	s17 =	sadd.s32 $0xA0A00, s13;
	s9 =	smax.u32 s9, $0x1  }
0xd: {  	s12 =	sshrl.u32 s30, $0x3;
	s13 =	simm.s32 $0x80;
	s5 =	sadd.s32 $0x86A00, s6  }
0xe: {  	s6 =	sadd.s32 $0x93A00, s6;
	s16 =	sadd.s32 s16, s17;
	s17 =	simm.s32 $0x0  }
.LBB2_1:
0xf: {  	[tilespmem:s3], [sflag:$0x2] =	stream.linear.gather [hbm4b:s5+s3], $0x3180, $0x38;
	[tilespmem:$0x1E400] =	vst v63  }
0x10: {  	_ =	swait.ge [sflag:s10], $0x3180  }
0x11: {  	[sflag:s10] =	ssyncset.done $0x0  }
0x12: {  	s18 =	simm.s32 $0x3400;
	[sflag:s10] =	ssyncadd.s32 $0xFFFFCE80  }
0x13: {  	[tilespmem:s18], [sflag:$0x2] =	stream.linear.gather [hbm4b:s6+s3], $0x3180, $0x38;
	[tilespmem:$0x1E400] =	vst v63  }
0x14: {  	_ =	swait.ge [sflag:s10], $0x3180  }
0x15: {  	[sflag:s10] =	ssyncset.done $0x0  }
0x16: {  	[sflag:s10] =	ssyncadd.s32 $0xFFFFCE80  }
0x17: {  	[spmem:s12], [sflag:s11] =	dma.local [hbm:s7], $0x2780  }
0x18: {  	_ =	swait.ge [sflag:s10], $0x2780  }
0x19: {  	[sflag:s10] =	ssyncset.done $0x0  }
0x1a: {  	[sflag:s10] =	ssyncadd.s32 $0xFFFFD880  }
0x1b: {  	[bflag:$0x0] =	sbarrier.arrive $0xFFFF  }
0x1c: {  	[tilespmem:s14], [sflag:$0x1] =	stream.indirect.gather [hbm4b:s4+s13], $0x80, s3, s13, $0xb8;
	[tilespmem:$0x1E400] =	vst v63  }
0x1d: {  	p0 =	sne.s32 s8, $0x1;
	_ =	swait.ge [sflag:s15], $0x4000  }
.Ltmp0:
0x1e: {  	[sflag:s15] =	ssyncset.done $0x0;
	(pc) =	sbr.rel @!p0 .LBB2_3-.Ltmp0, $4  }
0x1f: {  	[sflag:s15] =	ssyncadd.s32 $0xFFFFC000  }
0x20: {  	[spmem:s2] =	stream.indirect.scatter.add.f32 [tilespmem:s14], [sflag:$0x2], $0x80, s18, s13, $0xb8;
	[tilespmem:$0x1E400] =	vst v63  }
0x21: {  	_ =	swait.ge [sflag:s10], $0x4000  }
0x22: {  	s19 =	sadd.s32 $0xFFFFFFFF, s8;
	s20 =	simm.s32 $0x0;
	[sflag:s10] =	ssyncset.done $0x0  }
.LBB2_2:
0x23: {  	[sflag:s10] =	ssyncadd.s32 $0xFFFFC000;
	s20 =	sadd.s32 $0x80, s20;
	s18 =	sadd.s32 $0x80, s18  }
0x24: {  	[tilespmem:s14], [sflag:$0x1] =	stream.indirect.gather [hbm4b:s4+s13], $0x80, s20, s13, $0xb8;
	[tilespmem:$0x1E400] =	vst v63  }
0x25: {  	p0 =	sne.s32 s19, $0x1;
	s19 =	sadd.s32 $0xFFFFFFFF, s19;
	_ =	swait.ge [sflag:s15], $0x4000  }
.Ltmp1:
0x26: {  	[sflag:s15] =	ssyncset.done $0x0;
	(pc) =	sbr.rel @p0 .LBB2_2-.Ltmp1, $4  }
0x27: {  	[sflag:s15] =	ssyncadd.s32 $0xFFFFC000  }
0x28: {  	[spmem:s2] =	stream.indirect.scatter.add.f32 [tilespmem:s14], [sflag:$0x2], $0x80, s18, s13, $0xb8;
	[tilespmem:$0x1E400] =	vst v63  }
0x29: {  	_ =	swait.ge [sflag:s10], $0x4000  }
0x2a: {  	[sflag:s10] =	ssyncset.done $0x0  }
.LBB2_3:
0x2b: {  	s17 =	sadd.s32 $0x1, s17  }
0x2c: {  	[sflag:s10] =	ssyncadd.s32 $0xFFFFC000;
	p0 =	sne.s32 s17, s9  }
.Ltmp2:
0x2d: {  	[bflag:$0x0] =	sbarrier.arrive $0xFFFF;
	(pc) =	sbr.rel @p0 .LBB2_1-.Ltmp2, $4  }
0x2e: {  	[hbm:s16], [sflag:s11] =	dma.local [spmem:s12], $0x2780  }
0x2f: {  	_ =	swait.ge [sflag:s10], $0x2780  }
0x30: {  	[sflag:s10] =	ssyncset.done $0x0  }
0x31: {  	[sflag:s10] =	ssyncadd.s32 $0xFFFFD880  }
0x32: {  	_ =	sfence.sel $0x180000  }
0x33: {  	[bflag:$0x0] =	sbarrier.arrive $0xFFFF  }
0x34: {  	p0 =	sne.s32 s0, $0x0;
	_ =	strace $0x9000004A  }
0x35: {  	s0 =	sadd.s32 @!p0 $0x100000, s1;
	[bflag:$0x2] =	sbarrier.arrive $0xFFFF  }
0x36: {  	[sflag:s0] =	ssyncadd.tile.s32 @!p0 $0x1;
	_ =	shalt  }
.Lfunc_end2:
_tile_overlayer_lowered:
.L_overlay_start_2:
0x37: {  	(tag) =	ssettag $0x2  }
0x38: {  	s0 =	rddreg [dreg:$0x0];
	s2 =	stileid.u32  }
0x39: {  	s1 =	rddreg [dreg:$0x1];
	p0 =	sne.s32 s2, $0x0  }
0x3a: {  	s3 =	rddreg [dreg:$0x2];
	[bflag:$0x3] =	sbarrier.arrive $0xFFFF;
	s2 =	simm.s32 @!p0 $0x1C02  }
0x3b: {  	[timem:s3], [sflag:s2] =	dma.local @!p0 [hbm:s0], s1  }
0x3c: {  	s0 =	simm.s32 @!p0 $0x2  }
0x3d: {  	_ =	swait.ge @!p0 [sflag:s0], s1  }
0x3e: {  	s1 =	ssub.s32 @!p0 $0x0, s1;
	[sflag:s0] =	ssyncset.done @!p0 $0x0  }
0x3f: {  	[sflag:s0] =	ssyncadd.s32 @!p0 s1  }
0x40: {  	[bflag:$0x3] =	sbarrier.arrive $0xFFFF  }
0x41: {  	_ =	shalt  }

// kernel: kernel.17.cloned.1.call-start
scs
__scs_entry_jumppad:
0x0: {  	(pc) =	sbr.rel $0x88, $3  }
0x1: {  	(tag) =	ssettag $0x0;
	lr =	simm.s32 $0x1  }
0x2: {  	[smem:$0x3F8A] =	sst lr;
	_ =	strace $0xD0000000  }
0x3: {  	_ = 	snop  }
0x4: {  	_ = 	snop  }
0x5: {  	_ = 	snop  }
0x6: {  	_ = 	snop  }
0x7: {  	_ = 	snop  }
__scs_overlays_trampoline_lowered:
0x8: {  	[smem:$0x3F99] =	sst s0  }
0x9: {  	[smem:$0x3F9A] =	sst s1  }
0xa: {  	[smem:$0x3F9B] =	sst s2  }
0xb: {  	[smem:$0x3F9C] =	sst s3  }
0xc: {  	[smem:$0x3F9D] =	sst s4  }
0xd: {  	[smem:$0x3F9E] =	sst s5  }
0xe: {  	[smem:$0x3F9F] =	sst s6  }
0xf: {  	[smem:$0x3FA0] =	sst s7  }
0x10: {  	[smem:$0x3FA1] =	sst s8  }
0x11: {  	[smem:$0x3FA2] =	sst s9;
	s0 =	simm.s32 @!p0 $0x0  }
0x12: {  	s1 =	sld [smem:$0x3F88];
	s0 =	simm.s32 @p0 $0x1  }
0x13: {  	[smem:$0x3FA3] =	sst s0;
	s0 =	simm.s32 @!p1 $0x0  }
0x14: {  	s2 =	sld [smem:$0x3F87];
	s0 =	simm.s32 @p1 $0x1  }
0x15: {  	[smem:$0x3FA4] =	sst s0;
	s0 =	simm.s32 @!p2 $0x0  }
0x16: {  	s3 =	sld [smem:$0x3FDB];
	s0 =	simm.s32 @p2 $0x1  }
0x17: {  	s4 =	simm.s32 $0x1BF5;
	[smem:$0x3FA6] =	sst s0  }
0x18: {  	s0 =	sld [smem:$0x3F89];
	_ =	swait.ge [sflag:s4], $0x0  }
0x19: {  	s7 =	sld [smem:$0x3F8A]  }
0x1a: {  	s8 =	sadd.s32 $0xFFFFE003, lr  }
0x1b: {  	s9 =	sadd.s32 $0xFFFFFEF7, lr;
	s5 =	simm.s32 $0xFFFFFFFF;
	p2 =	slt.u32 s8, $0xFFFFF086  }
0x1c: {  	p1 =	slt.u32 s9, $0xF7A;
	s5 =	simm.s32 @!p2 $0x0  }
0x1d: {  	s5 =	simm.s32 @p1 $0x1;
	p0 =	seq.s32 s7, s2  }
0x1e: {  	s7 =	smul.u32 @!p0 $0xF7A, s2;
	p2 =	seq.s32 @!p0 s5, $0x0  }
0x1f: {  	s9 =	smul.u32 $0xF7A, s1;
	s8 =	simm.s32 @!p0 $0x1BF5;
	p2 =	por !p2, p0  }
0x20: {  	[sflag:s8] =	ssyncset.s32 @!p0 $0xFFFFF086;
	s6 =	sadd.s32 @!p0 s3, s7;
	s7 =	simm.s32 @!p0 $0x108  }
0x21: {  	s3 =	sadd.s32 s3, s9;
	s6 =	sadd.s32 @!p0 $0x88, s6;
	s7 =	simm.s32 @p2 $0x1082  }
0x22: {  	[simem:s7], [sflag:s8] =	dma.local @!p0 [hbm:s6], $0xF7A  }
0x23: {  	s9 =	sor.u32 $0xD0000000, s2;
	s6 =	simm.s32 $0x108;
	_ =	swait.ge @!p0 [sflag:s8], $0x0  }
0x24: {  	s3 =	sadd.s32 $0x88, s3;
	s6 =	simm.s32 @!p1 $0x1082;
	[sflag:s4] =	ssyncset.s32 $0xFFFFF086  }
0x25: {  	[simem:s6], [sflag:s4] =	dma.local [hbm:s3], $0xF7A  }
0x26: {  	[smem:$0x3F8A] =	sst s1;
	(tag) =	ssettag s2;
	_ =	strace s9  }
0x27: {  	s1 =	sld [smem:$0x3F9A]  }
0x28: {  	s2 =	sld [smem:$0x3F9B]  }
0x29: {  	s4 =	sld [smem:$0x3F9D]  }
0x2a: {  	p0 =	seq.s32 s5, $0x0;
	s5 =	sld [smem:$0x3F9E]  }
0x2b: {  	s6 =	sld [smem:$0x3F9F]  }
0x2c: {  	s7 =	sld [smem:$0x3FA0]  }
0x2d: {  	s3 =	simm.s32 $0x108;
	s8 =	sld [smem:$0x3FA1]  }
0x2e: {  	s3 =	simm.s32 @!p0 $0x1082;
	s9 =	sld [smem:$0x3FA2]  }
0x2f: {  	lr =	sadd.s32 s0, s3;
	s0 =	sld [smem:$0x3F99]  }
0x30: {  	s3 =	sld [smem:$0x3F9C]  }
0x31: {  	[smem:$0x3FA5] =	sst s10  }
0x32: {  	s10 =	sld [smem:$0x3FA3];
	_ =	sdelay $0x3  }
0x33: {  	p0 =	seq.s32 s10, $0x1;
	s10 =	sld [smem:$0x3FA5];
	_ =	sdelay $0x3  }
0x34: {  	[smem:$0x3FA5] =	sst s10  }
0x35: {  	s10 =	sld [smem:$0x3FA4];
	_ =	sdelay $0x3  }
0x36: {  	p1 =	seq.s32 s10, $0x1;
	s10 =	sld [smem:$0x3FA5];
	_ =	sdelay $0x3  }
0x37: {  	[smem:$0x3FA5] =	sst s10  }
0x38: {  	s10 =	sld [smem:$0x3FA6]  }
0x39: {  	_ = 	snop;
	(pc) =	sbr.ind lr, $3  }
0x3a: {  	_ = 	snop  }
0x3b: {  	_ = 	snop  }
0x3c: {  	p2 =	seq.s32 s10, $0x1;
	s10 =	sld [smem:$0x3FA5]  }
0x3d: {  	_ =	shalt  }
0x3e: {  	_ =	shalt  }
0x3f: {  	_ =	shalt  }
0x40: {  	_ =	shalt  }
0x41: {  	_ =	shalt  }
0x42: {  	_ =	shalt  }
0x43: {  	_ =	shalt  }
0x44: {  	_ =	shalt  }
0x45: {  	_ =	shalt  }
0x46: {  	_ =	shalt  }
0x47: {  	_ =	shalt  }
0x48: {  	_ =	shalt  }
0x49: {  	_ =	shalt  }
0x4a: {  	_ =	shalt  }
0x4b: {  	_ =	shalt  }
0x4c: {  	_ =	shalt  }
0x4d: {  	_ =	shalt  }
0x4e: {  	_ =	shalt  }
0x4f: {  	_ =	shalt  }
0x50: {  	_ =	shalt  }
0x51: {  	_ =	shalt  }
0x52: {  	_ =	shalt  }
0x53: {  	_ =	shalt  }
0x54: {  	_ =	shalt  }
0x55: {  	_ =	shalt  }
0x56: {  	_ =	shalt  }
0x57: {  	_ =	shalt  }
0x58: {  	_ =	shalt  }
0x59: {  	_ =	shalt  }
0x5a: {  	_ =	shalt  }
0x5b: {  	_ =	shalt  }
0x5c: {  	_ =	shalt  }
0x5d: {  	_ =	shalt  }
0x5e: {  	_ =	shalt  }
0x5f: {  	_ =	shalt  }
0x60: {  	_ =	shalt  }
0x61: {  	_ =	shalt  }
0x62: {  	_ =	shalt  }
0x63: {  	_ =	shalt  }
0x64: {  	_ =	shalt  }
0x65: {  	_ =	shalt  }
0x66: {  	_ =	shalt  }
0x67: {  	_ =	shalt  }
0x68: {  	_ =	shalt  }
0x69: {  	_ =	shalt  }
0x6a: {  	_ =	shalt  }
0x6b: {  	_ =	shalt  }
0x6c: {  	_ =	shalt  }
0x6d: {  	_ =	shalt  }
0x6e: {  	_ =	shalt  }
0x6f: {  	_ =	shalt  }
0x70: {  	_ =	shalt  }
0x71: {  	_ =	shalt  }
0x72: {  	_ =	shalt  }
0x73: {  	_ =	shalt  }
0x74: {  	_ =	shalt  }
0x75: {  	_ =	shalt  }
0x76: {  	_ =	shalt  }
0x77: {  	_ =	shalt  }
0x78: {  	_ =	shalt  }
0x79: {  	_ =	shalt  }
0x7a: {  	_ =	shalt  }
0x7b: {  	_ =	shalt  }
0x7c: {  	_ =	shalt  }
0x7d: {  	_ =	shalt  }
0x7e: {  	_ =	shalt  }
0x7f: {  	_ =	shalt  }
0x80: {  	_ =	shalt  }
0x81: {  	_ =	shalt  }
0x82: {  	_ =	shalt  }
0x83: {  	_ =	shalt  }
0x84: {  	_ =	shalt  }
0x85: {  	_ =	shalt  }
0x86: {  	_ =	shalt  }
0x87: {  	_ =	shalt  }
.Lfunc_end0:
.L_simem_size_0:
called_computation.2_lowered:
.L_overlay_start_0:
0x88: {  	s2 =	sld [smem:$0x3FD9]  }
0x89: {  	s3 =	sld [smem:$0x3FFE];
	_ =	sdelay $0x1  }
0x8a: {  	s1 =	srdreg.scid  }
0x8b: {  	s0 =	sand.u32 $0x1, s1  }
0x8c: {  	s16 =	sshll.u32 s0, $0xA;
	s2 =	sadd.s32 s3, s2  }
0x8d: {  	s2 =	sadd.s32 s2, s16  }
0x8e: {  	[smem:$0x3FB1] =	sst s2  }
0x8f: {  	_ = 	snop  }
0x90: {  	(tm) =	ssettm $0x1  }
0x91: {  	s17 =	sld [smem:$0x3FFB];
	_ =	sdelay $0x3  }
0x92: {  	_ =	strace s17  }
0x93: {  	s2 =	sld [smem:$0x3FFC];
	_ =	sdelay $0x3  }
0x94: {  	_ =	strace s2  }
0x95: {  	s2 =	sld [smem:$0x3FFD];
	_ =	sdelay $0x3  }
0x96: {  	_ =	strace s2  }
0x97: {  	_ =	strace $0x8FFFFFFF  }
0x98: {  	s18 =	sld [smem:$0x3FDB];
	_ =	sdelay $0x1  }
0x99: {  	s19 =	simm.s32 $_scs_section_size  }
0x9a: {  	s4 =	simm.s32 $_size__tile_overlayer_lowered;
	s5 =	simm.s32 $_tile_overlayer_lowered  }
0x9b: {  	s22 =	simm.s32 $0x1BFF;
	s21 =	sshll.u32 s5, $0x1;
	s2 =	sadd.s32 s19, s18  }
0x9c: {  	s6 =	simm.s32 $0x0;
	s20 =	sshll.u32 s4, $0x1;
	s4 =	sadd.s32 s21, s2  }
0x9d: {  	[timem:s6], [sflag:s22] =	dma.local [hbm:s4], s20  }
0x9e: {  	_ =	swait.ge [sflag:s22], s20  }
0x9f: {  	s3 =	ssub.s32 $0x0, s20;
	[sflag:s22] =	ssyncset.done $0x0  }
0xa0: {  	[sflag:s22] =	ssyncadd.s32 s3;
	_ =	sdelay $0x1  }
0xa1: {  	s23 =	simm.s32 $0x1B8B  }
0xa2: {  	_ =	swait.ge [sflag:s23], $0x1  }
0xa3: {  	[sflag:s23] =	ssyncset.done $0x0  }
0xa4: {  	s25 =	simm.s32 $0x1B8E;
	s24 =	sld [smem:$0x3FFE];
	[sflag:s23] =	ssyncadd.s32 $0xFFFFFFFF  }
0xa5: {  	s26 =	simm.s32 $execute0_lowered;
	[smem:$0x3FD2] =	sst s25  }
0xa6: {  	s4 =	sshll.u32 s26, $0x1;
	_ =	strace $0x8000004C;
	[dreg:$0x1] =	wrdreg $0xFFFFFFFF  }
0xa7: {  	s28 =	simm.s32 $_size_execute0_lowered;
	s2 =	sadd.s32 s2, s4;
	[dreg:$0x0] =	wrdreg $0x0  }
0xa8: {  	s4 =	sshll.u32 s28, $0x1;
	[dreg:$0x2] =	wrdreg s2  }
0xa9: {  	[dreg:$0x3] =	wrdreg s4  }
0xaa: {  	[dreg:$0x4] =	wrdreg $0xC0  }
0xab: {  	_ =	task [dreg:s6], $0x5FFFF  }
0xac: {  	[dreg:$0x1] =	wrdreg $0xFFFFFFFF  }
0xad: {  	[dreg:$0x0] =	wrdreg $0x60  }
0xae: {  	[dreg:$0x2] =	wrdreg s24  }
0xaf: {  	[dreg:$0x3] =	wrdreg $0xA8000  }
0xb0: {  	[dreg:$0x4] =	wrdreg $0x9  }
0xb1: {  	_ =	task.clear_ibuf [dreg:s6], $0x5FFFF;
	_ =	strace $0x9000004C  }
0xb2: {  	s29 =	simm.s32 $0x9;
	_ =	strace $0x8000004E  }
0xb3: {  	_ =	swait.ge [sflag:s29], $0x1  }
0xb4: {  	[sflag:s29] =	ssyncadd.s32 $0xFFFFFFFF  }
0xb5: {  	_ =	strace $0x9000004E  }
0xb6: {  	_ =	sfence  }
0xb7: {  	s30 =	sld [smem:$0x0];
	_ =	sdelay $0x2  }
0xb8: {  	s31 =	sshll.u32 s1, $0xD;
	s1 =	sshrl.u32 s1, $0x2  }
0xb9: {  	s3 =	sand.u32 $0x4000, s31;
	s1 =	sadd.s32 s1, s30  }
0xba: {  	s0 =	sor.u32 s3, s0;
	s1 =	sshll.u32 s1, $0x11  }
0xbb: {  	s0 =	sor.u32 s1, s0  }
0xbc: {  	s0 =	sadd.s32 $0x8F2B, s0  }
0xbd: {  	[sflag:s0] =	ssyncadd.remote.s32 $0x1  }
0xbe: {  	_ =	sfence.sel $0xFFFF  }
0xbf: {  	[dreg:$0x0] =	wrdreg $0xFFFFFFFF;
	(pc) =	sbr.abs _section_cstart, $3  }
0xc0: {  	[dreg:$0x1] =	wrdreg $0xFFFFFFFF  }
0xc1: {  	_ =	task.clear_ibuf [dreg:s6], $0x2FFFF;
	_ =	strace $0x9FFFFFFF  }
0xc2: {  	(tm) =	ssettm $0x7FFFFFFF  }
0xc3: {  	_ =	shalt  }
tec
execute0_lowered:
.L_overlay_start_1:
0x0: {  	(tag) =	ssettag $0x1  }
0x1: {  	s1 =	srdreg.scid;
	s5 =	rddreg [dreg:$0x0]  }
0x2: {  	s0 =	stileid.u32;
	s2 =	rddreg [dreg:$0x1];
	s3 =	simm.s32 $0x0  }
0x3: {  	s14 =	simm.s32 $0x6800;
	s15 =	simm.s32 $0x1;
	s8 =	sand.u32 $0x1, s1  }
0x4: {  	s28 =	sshll.u32 s0, $0x1;
	s1 =	rddreg [dreg:$0x2];
	s16 =	smul.u32 $0x2780, s0  }
0x5: {  	[smem:$0x7FF] =	sst s3;
	s10 =	smul.u32 $0x4F000, s0;
	s31 =	sshll.u32 s0, $0x6  }
0x6: {  	s4 =	sor.u32 s8, s28;
	_ =	strace $0x8000004D;
	s7 =	smul.u32 $0x27800, s8  }
0x7: {  	s9 =	ssub.s32 $0x2, s8;
	p0 =	seq.s32 s8, $0x0;
	s8 =	simm.s32 $0x63  }
0x8: {  	s6 =	smul.u32 $0x680, s4;
	s4 =	sadd.s32 $0x37A00, s5;
	s11 =	sadd.s32 s16, s5  }
0x9: {  	s12 =	sshrl.u32 s9, $0x1;
	s29 =	sshrl.u32 s10, $0x2;
	s8 =	simm.s32 @!p0 $0x3A  }
0xa: {  	s10 =	simm.s32 $0x2;
	s13 =	sadd.s32 s7, s5;
	s9 =	ssub.s32 s9, s12  }
0xb: {  	s30 =	sadd.s32 s29, s2;
	s7 =	sadd.s32 $0x10200, s11;
	s11 =	sor.u32 $0x1C02, s31  }
0xc: {  	s6 =	sadd.s32 s6, s5;
	s17 =	sadd.s32 $0xA0A00, s13;
	s9 =	smax.u32 s9, $0x1  }
0xd: {  	s12 =	sshrl.u32 s30, $0x3;
	s13 =	simm.s32 $0x80;
	s5 =	sadd.s32 $0x86A00, s6  }
0xe: {  	s6 =	sadd.s32 $0x93A00, s6;
	s16 =	sadd.s32 s16, s17;
	s17 =	simm.s32 $0x0  }
.LBB2_1:
0xf: {  	[tilespmem:s3], [sflag:$0x2] =	stream.linear.gather [hbm4b:s5+s3], $0x3180, $0x38;
	[tilespmem:$0x1E400] =	vst v63  }
0x10: {  	_ =	swait.ge [sflag:s10], $0x3180  }
0x11: {  	[sflag:s10] =	ssyncset.done $0x0  }
0x12: {  	s18 =	simm.s32 $0x3400;
	[sflag:s10] =	ssyncadd.s32 $0xFFFFCE80  }
0x13: {  	[tilespmem:s18], [sflag:$0x2] =	stream.linear.gather [hbm4b:s6+s3], $0x3180, $0x38;
	[tilespmem:$0x1E400] =	vst v63  }
0x14: {  	_ =	swait.ge [sflag:s10], $0x3180  }
0x15: {  	[sflag:s10] =	ssyncset.done $0x0  }
0x16: {  	[sflag:s10] =	ssyncadd.s32 $0xFFFFCE80  }
0x17: {  	[spmem:s12], [sflag:s11] =	dma.local [hbm:s7], $0x2780  }
0x18: {  	_ =	swait.ge [sflag:s10], $0x2780  }
0x19: {  	[sflag:s10] =	ssyncset.done $0x0  }
0x1a: {  	[sflag:s10] =	ssyncadd.s32 $0xFFFFD880  }
0x1b: {  	[bflag:$0x0] =	sbarrier.arrive $0xFFFF  }
0x1c: {  	[tilespmem:s14], [sflag:$0x1] =	stream.indirect.gather [hbm4b:s4+s13], $0x80, s3, s13, $0xb8;
	[tilespmem:$0x1E400] =	vst v63  }
0x1d: {  	p0 =	sne.s32 s8, $0x1;
	_ =	swait.ge [sflag:s15], $0x4000  }
.Ltmp0:
0x1e: {  	[sflag:s15] =	ssyncset.done $0x0;
	(pc) =	sbr.rel @!p0 .LBB2_3-.Ltmp0, $4  }
0x1f: {  	[sflag:s15] =	ssyncadd.s32 $0xFFFFC000  }
0x20: {  	[spmem:s2] =	stream.indirect.scatter.add.f32 [tilespmem:s14], [sflag:$0x2], $0x80, s18, s13, $0xb8;
	[tilespmem:$0x1E400] =	vst v63  }
0x21: {  	_ =	swait.ge [sflag:s10], $0x4000  }
0x22: {  	s19 =	sadd.s32 $0xFFFFFFFF, s8;
	s20 =	simm.s32 $0x0;
	[sflag:s10] =	ssyncset.done $0x0  }
.LBB2_2:
0x23: {  	[sflag:s10] =	ssyncadd.s32 $0xFFFFC000;
	s20 =	sadd.s32 $0x80, s20;
	s18 =	sadd.s32 $0x80, s18  }
0x24: {  	[tilespmem:s14], [sflag:$0x1] =	stream.indirect.gather [hbm4b:s4+s13], $0x80, s20, s13, $0xb8;
	[tilespmem:$0x1E400] =	vst v63  }
0x25: {  	p0 =	sne.s32 s19, $0x1;
	s19 =	sadd.s32 $0xFFFFFFFF, s19;
	_ =	swait.ge [sflag:s15], $0x4000  }
.Ltmp1:
0x26: {  	[sflag:s15] =	ssyncset.done $0x0;
	(pc) =	sbr.rel @p0 .LBB2_2-.Ltmp1, $4  }
0x27: {  	[sflag:s15] =	ssyncadd.s32 $0xFFFFC000  }
0x28: {  	[spmem:s2] =	stream.indirect.scatter.add.f32 [tilespmem:s14], [sflag:$0x2], $0x80, s18, s13, $0xb8;
	[tilespmem:$0x1E400] =	vst v63  }
0x29: {  	_ =	swait.ge [sflag:s10], $0x4000  }
0x2a: {  	[sflag:s10] =	ssyncset.done $0x0  }
.LBB2_3:
0x2b: {  	s17 =	sadd.s32 $0x1, s17  }
0x2c: {  	[sflag:s10] =	ssyncadd.s32 $0xFFFFC000;
	p0 =	sne.s32 s17, s9  }
.Ltmp2:
0x2d: {  	[bflag:$0x0] =	sbarrier.arrive $0xFFFF;
	(pc) =	sbr.rel @p0 .LBB2_1-.Ltmp2, $4  }
0x2e: {  	[hbm:s16], [sflag:s11] =	dma.local [spmem:s12], $0x2780  }
0x2f: {  	_ =	swait.ge [sflag:s10], $0x2780  }
0x30: {  	[sflag:s10] =	ssyncset.done $0x0  }
0x31: {  	[sflag:s10] =	ssyncadd.s32 $0xFFFFD880  }
0x32: {  	_ =	sfence.sel $0x180000  }
0x33: {  	[bflag:$0x0] =	sbarrier.arrive $0xFFFF  }
0x34: {  	p0 =	sne.s32 s0, $0x0;
	_ =	strace $0x9000004D  }
0x35: {  	s0 =	sadd.s32 @!p0 $0x100000, s1;
	[bflag:$0x2] =	sbarrier.arrive $0xFFFF  }
0x36: {  	[sflag:s0] =	ssyncadd.tile.s32 @!p0 $0x1;
	_ =	shalt  }
.Lfunc_end2:
_tile_overlayer_lowered:
.L_overlay_start_2:
0x37: {  	(tag) =	ssettag $0x2  }
0x38: {  	s0 =	rddreg [dreg:$0x0];
	s2 =	stileid.u32  }
0x39: {  	s1 =	rddreg [dreg:$0x1];
	p0 =	sne.s32 s2, $0x0  }
0x3a: {  	s3 =	rddreg [dreg:$0x2];
	[bflag:$0x3] =	sbarrier.arrive $0xFFFF;
	s2 =	simm.s32 @!p0 $0x1C02  }
0x3b: {  	[timem:s3], [sflag:s2] =	dma.local @!p0 [hbm:s0], s1  }
0x3c: {  	s0 =	simm.s32 @!p0 $0x2  }
0x3d: {  	_ =	swait.ge @!p0 [sflag:s0], s1  }
0x3e: {  	s1 =	ssub.s32 @!p0 $0x0, s1;
	[sflag:s0] =	ssyncset.done @!p0 $0x0  }
0x3f: {  	[sflag:s0] =	ssyncadd.s32 @!p0 s1  }
0x40: {  	[bflag:$0x3] =	sbarrier.arrive $0xFFFF  }
0x41: {  	_ =	shalt  }

// kernel: kernel.20.cloned.1.call-start
scs
__scs_entry_jumppad:
0x0: {  	(pc) =	sbr.rel $0x88, $3  }
0x1: {  	(tag) =	ssettag $0x0;
	lr =	simm.s32 $0x1  }
0x2: {  	[smem:$0x3F8A] =	sst lr;
	_ =	strace $0xD0000000  }
0x3: {  	_ = 	snop  }
0x4: {  	_ = 	snop  }
0x5: {  	_ = 	snop  }
0x6: {  	_ = 	snop  }
0x7: {  	_ = 	snop  }
__scs_overlays_trampoline_lowered:
0x8: {  	[smem:$0x3F99] =	sst s0  }
0x9: {  	[smem:$0x3F9A] =	sst s1  }
0xa: {  	[smem:$0x3F9B] =	sst s2  }
0xb: {  	[smem:$0x3F9C] =	sst s3  }
0xc: {  	[smem:$0x3F9D] =	sst s4  }
0xd: {  	[smem:$0x3F9E] =	sst s5  }
0xe: {  	[smem:$0x3F9F] =	sst s6  }
0xf: {  	[smem:$0x3FA0] =	sst s7  }
0x10: {  	[smem:$0x3FA1] =	sst s8  }
0x11: {  	[smem:$0x3FA2] =	sst s9;
	s0 =	simm.s32 @!p0 $0x0  }
0x12: {  	s1 =	sld [smem:$0x3F88];
	s0 =	simm.s32 @p0 $0x1  }
0x13: {  	[smem:$0x3FA3] =	sst s0;
	s0 =	simm.s32 @!p1 $0x0  }
0x14: {  	s2 =	sld [smem:$0x3F87];
	s0 =	simm.s32 @p1 $0x1  }
0x15: {  	[smem:$0x3FA4] =	sst s0;
	s0 =	simm.s32 @!p2 $0x0  }
0x16: {  	s3 =	sld [smem:$0x3FDB];
	s0 =	simm.s32 @p2 $0x1  }
0x17: {  	s4 =	simm.s32 $0x1BF5;
	[smem:$0x3FA6] =	sst s0  }
0x18: {  	s0 =	sld [smem:$0x3F89];
	_ =	swait.ge [sflag:s4], $0x0  }
0x19: {  	s7 =	sld [smem:$0x3F8A]  }
0x1a: {  	s8 =	sadd.s32 $0xFFFFE003, lr  }
0x1b: {  	s9 =	sadd.s32 $0xFFFFFEF7, lr;
	s5 =	simm.s32 $0xFFFFFFFF;
	p2 =	slt.u32 s8, $0xFFFFF086  }
0x1c: {  	p1 =	slt.u32 s9, $0xF7A;
	s5 =	simm.s32 @!p2 $0x0  }
0x1d: {  	s5 =	simm.s32 @p1 $0x1;
	p0 =	seq.s32 s7, s2  }
0x1e: {  	s7 =	smul.u32 @!p0 $0xF7A, s2;
	p2 =	seq.s32 @!p0 s5, $0x0  }
0x1f: {  	s9 =	smul.u32 $0xF7A, s1;
	s8 =	simm.s32 @!p0 $0x1BF5;
	p2 =	por !p2, p0  }
0x20: {  	[sflag:s8] =	ssyncset.s32 @!p0 $0xFFFFF086;
	s6 =	sadd.s32 @!p0 s3, s7;
	s7 =	simm.s32 @!p0 $0x108  }
0x21: {  	s3 =	sadd.s32 s3, s9;
	s6 =	sadd.s32 @!p0 $0x88, s6;
	s7 =	simm.s32 @p2 $0x1082  }
0x22: {  	[simem:s7], [sflag:s8] =	dma.local @!p0 [hbm:s6], $0xF7A  }
0x23: {  	s9 =	sor.u32 $0xD0000000, s2;
	s6 =	simm.s32 $0x108;
	_ =	swait.ge @!p0 [sflag:s8], $0x0  }
0x24: {  	s3 =	sadd.s32 $0x88, s3;
	s6 =	simm.s32 @!p1 $0x1082;
	[sflag:s4] =	ssyncset.s32 $0xFFFFF086  }
0x25: {  	[simem:s6], [sflag:s4] =	dma.local [hbm:s3], $0xF7A  }
0x26: {  	[smem:$0x3F8A] =	sst s1;
	(tag) =	ssettag s2;
	_ =	strace s9  }
0x27: {  	s1 =	sld [smem:$0x3F9A]  }
0x28: {  	s2 =	sld [smem:$0x3F9B]  }
0x29: {  	s4 =	sld [smem:$0x3F9D]  }
0x2a: {  	p0 =	seq.s32 s5, $0x0;
	s5 =	sld [smem:$0x3F9E]  }
0x2b: {  	s6 =	sld [smem:$0x3F9F]  }
0x2c: {  	s7 =	sld [smem:$0x3FA0]  }
0x2d: {  	s3 =	simm.s32 $0x108;
	s8 =	sld [smem:$0x3FA1]  }
0x2e: {  	s3 =	simm.s32 @!p0 $0x1082;
	s9 =	sld [smem:$0x3FA2]  }
0x2f: {  	lr =	sadd.s32 s0, s3;
	s0 =	sld [smem:$0x3F99]  }
0x30: {  	s3 =	sld [smem:$0x3F9C]  }
0x31: {  	[smem:$0x3FA5] =	sst s10  }
0x32: {  	s10 =	sld [smem:$0x3FA3];
	_ =	sdelay $0x3  }
0x33: {  	p0 =	seq.s32 s10, $0x1;
	s10 =	sld [smem:$0x3FA5];
	_ =	sdelay $0x3  }
0x34: {  	[smem:$0x3FA5] =	sst s10  }
0x35: {  	s10 =	sld [smem:$0x3FA4];
	_ =	sdelay $0x3  }
0x36: {  	p1 =	seq.s32 s10, $0x1;
	s10 =	sld [smem:$0x3FA5];
	_ =	sdelay $0x3  }
0x37: {  	[smem:$0x3FA5] =	sst s10  }
0x38: {  	s10 =	sld [smem:$0x3FA6]  }
0x39: {  	_ = 	snop;
	(pc) =	sbr.ind lr, $3  }
0x3a: {  	_ = 	snop  }
0x3b: {  	_ = 	snop  }
0x3c: {  	p2 =	seq.s32 s10, $0x1;
	s10 =	sld [smem:$0x3FA5]  }
0x3d: {  	_ =	shalt  }
0x3e: {  	_ =	shalt  }
0x3f: {  	_ =	shalt  }
0x40: {  	_ =	shalt  }
0x41: {  	_ =	shalt  }
0x42: {  	_ =	shalt  }
0x43: {  	_ =	shalt  }
0x44: {  	_ =	shalt  }
0x45: {  	_ =	shalt  }
0x46: {  	_ =	shalt  }
0x47: {  	_ =	shalt  }
0x48: {  	_ =	shalt  }
0x49: {  	_ =	shalt  }
0x4a: {  	_ =	shalt  }
0x4b: {  	_ =	shalt  }
0x4c: {  	_ =	shalt  }
0x4d: {  	_ =	shalt  }
0x4e: {  	_ =	shalt  }
0x4f: {  	_ =	shalt  }
0x50: {  	_ =	shalt  }
0x51: {  	_ =	shalt  }
0x52: {  	_ =	shalt  }
0x53: {  	_ =	shalt  }
0x54: {  	_ =	shalt  }
0x55: {  	_ =	shalt  }
0x56: {  	_ =	shalt  }
0x57: {  	_ =	shalt  }
0x58: {  	_ =	shalt  }
0x59: {  	_ =	shalt  }
0x5a: {  	_ =	shalt  }
0x5b: {  	_ =	shalt  }
0x5c: {  	_ =	shalt  }
0x5d: {  	_ =	shalt  }
0x5e: {  	_ =	shalt  }
0x5f: {  	_ =	shalt  }
0x60: {  	_ =	shalt  }
0x61: {  	_ =	shalt  }
0x62: {  	_ =	shalt  }
0x63: {  	_ =	shalt  }
0x64: {  	_ =	shalt  }
0x65: {  	_ =	shalt  }
0x66: {  	_ =	shalt  }
0x67: {  	_ =	shalt  }
0x68: {  	_ =	shalt  }
0x69: {  	_ =	shalt  }
0x6a: {  	_ =	shalt  }
0x6b: {  	_ =	shalt  }
0x6c: {  	_ =	shalt  }
0x6d: {  	_ =	shalt  }
0x6e: {  	_ =	shalt  }
0x6f: {  	_ =	shalt  }
0x70: {  	_ =	shalt  }
0x71: {  	_ =	shalt  }
0x72: {  	_ =	shalt  }
0x73: {  	_ =	shalt  }
0x74: {  	_ =	shalt  }
0x75: {  	_ =	shalt  }
0x76: {  	_ =	shalt  }
0x77: {  	_ =	shalt  }
0x78: {  	_ =	shalt  }
0x79: {  	_ =	shalt  }
0x7a: {  	_ =	shalt  }
0x7b: {  	_ =	shalt  }
0x7c: {  	_ =	shalt  }
0x7d: {  	_ =	shalt  }
0x7e: {  	_ =	shalt  }
0x7f: {  	_ =	shalt  }
0x80: {  	_ =	shalt  }
0x81: {  	_ =	shalt  }
0x82: {  	_ =	shalt  }
0x83: {  	_ =	shalt  }
0x84: {  	_ =	shalt  }
0x85: {  	_ =	shalt  }
0x86: {  	_ =	shalt  }
0x87: {  	_ =	shalt  }
.Lfunc_end0:
.L_simem_size_0:
called_computation.3_lowered:
.L_overlay_start_0:
0x88: {  	s2 =	sld [smem:$0x3FD9]  }
0x89: {  	s3 =	sld [smem:$0x3FFE];
	_ =	sdelay $0x1  }
0x8a: {  	s1 =	srdreg.scid  }
0x8b: {  	s0 =	sand.u32 $0x1, s1  }
0x8c: {  	s16 =	sshll.u32 s0, $0xA;
	s2 =	sadd.s32 s3, s2  }
0x8d: {  	s2 =	sadd.s32 s2, s16  }
0x8e: {  	[smem:$0x3FB1] =	sst s2  }
0x8f: {  	_ = 	snop  }
0x90: {  	(tm) =	ssettm $0x1  }
0x91: {  	s17 =	sld [smem:$0x3FFB];
	_ =	sdelay $0x3  }
0x92: {  	_ =	strace s17  }
0x93: {  	s2 =	sld [smem:$0x3FFC];
	_ =	sdelay $0x3  }
0x94: {  	_ =	strace s2  }
0x95: {  	s2 =	sld [smem:$0x3FFD];
	_ =	sdelay $0x3  }
0x96: {  	_ =	strace s2  }
0x97: {  	_ =	strace $0x8FFFFFFF  }
0x98: {  	s18 =	sld [smem:$0x3FDB];
	_ =	sdelay $0x1  }
0x99: {  	s19 =	simm.s32 $_scs_section_size  }
0x9a: {  	s4 =	simm.s32 $_size__tile_overlayer_lowered;
	s5 =	simm.s32 $_tile_overlayer_lowered  }
0x9b: {  	s22 =	simm.s32 $0x1BFF;
	s21 =	sshll.u32 s5, $0x1;
	s2 =	sadd.s32 s19, s18  }
0x9c: {  	s6 =	simm.s32 $0x0;
	s20 =	sshll.u32 s4, $0x1;
	s4 =	sadd.s32 s21, s2  }
0x9d: {  	[timem:s6], [sflag:s22] =	dma.local [hbm:s4], s20  }
0x9e: {  	_ =	swait.ge [sflag:s22], s20  }
0x9f: {  	s3 =	ssub.s32 $0x0, s20;
	[sflag:s22] =	ssyncset.done $0x0  }
0xa0: {  	[sflag:s22] =	ssyncadd.s32 s3;
	_ =	sdelay $0x1  }
0xa1: {  	s23 =	simm.s32 $0x1B8B  }
0xa2: {  	_ =	swait.ge [sflag:s23], $0x1  }
0xa3: {  	[sflag:s23] =	ssyncset.done $0x0  }
0xa4: {  	s25 =	simm.s32 $0x1B8E;
	s24 =	sld [smem:$0x3FFE];
	[sflag:s23] =	ssyncadd.s32 $0xFFFFFFFF  }
0xa5: {  	s26 =	simm.s32 $execute0_lowered;
	[smem:$0x3FD2] =	sst s25  }
0xa6: {  	s4 =	sshll.u32 s26, $0x1;
	_ =	strace $0x8000004F;
	[dreg:$0x1] =	wrdreg $0xFFFFFFFF  }
0xa7: {  	s28 =	simm.s32 $_size_execute0_lowered;
	s2 =	sadd.s32 s2, s4;
	[dreg:$0x0] =	wrdreg $0x0  }
0xa8: {  	s4 =	sshll.u32 s28, $0x1;
	[dreg:$0x2] =	wrdreg s2  }
0xa9: {  	[dreg:$0x3] =	wrdreg s4  }
0xaa: {  	[dreg:$0x4] =	wrdreg $0xC0  }
0xab: {  	_ =	task [dreg:s6], $0x5FFFF  }
0xac: {  	[dreg:$0x1] =	wrdreg $0xFFFFFFFF  }
0xad: {  	[dreg:$0x0] =	wrdreg $0x60  }
0xae: {  	[dreg:$0x2] =	wrdreg s24  }
0xaf: {  	[dreg:$0x3] =	wrdreg $0xA8000  }
0xb0: {  	[dreg:$0x4] =	wrdreg $0x9  }
0xb1: {  	_ =	task.clear_ibuf [dreg:s6], $0x5FFFF;
	_ =	strace $0x9000004F  }
0xb2: {  	s29 =	simm.s32 $0x9;
	_ =	strace $0x80000051  }
0xb3: {  	_ =	swait.ge [sflag:s29], $0x1  }
0xb4: {  	[sflag:s29] =	ssyncadd.s32 $0xFFFFFFFF  }
0xb5: {  	_ =	strace $0x90000051  }
0xb6: {  	_ =	sfence  }
0xb7: {  	s30 =	sld [smem:$0x0];
	_ =	sdelay $0x2  }
0xb8: {  	s31 =	sshll.u32 s1, $0xD;
	s1 =	sshrl.u32 s1, $0x2  }
0xb9: {  	s3 =	sand.u32 $0x4000, s31;
	s1 =	sadd.s32 s1, s30  }
0xba: {  	s0 =	sor.u32 s3, s0;
	s1 =	sshll.u32 s1, $0x11  }
0xbb: {  	s0 =	sor.u32 s1, s0  }
0xbc: {  	s0 =	sadd.s32 $0x8F2B, s0  }
0xbd: {  	[sflag:s0] =	ssyncadd.remote.s32 $0x1  }
0xbe: {  	_ =	sfence.sel $0xFFFF  }
0xbf: {  	[dreg:$0x0] =	wrdreg $0xFFFFFFFF;
	(pc) =	sbr.abs _section_cstart, $3  }
0xc0: {  	[dreg:$0x1] =	wrdreg $0xFFFFFFFF  }
0xc1: {  	_ =	task.clear_ibuf [dreg:s6], $0x2FFFF;
	_ =	strace $0x9FFFFFFF  }
0xc2: {  	(tm) =	ssettm $0x7FFFFFFF  }
0xc3: {  	_ =	shalt  }
tec
execute0_lowered:
.L_overlay_start_1:
0x0: {  	(tag) =	ssettag $0x1  }
0x1: {  	s1 =	srdreg.scid;
	s5 =	rddreg [dreg:$0x0]  }
0x2: {  	s0 =	stileid.u32;
	s2 =	rddreg [dreg:$0x1];
	s3 =	simm.s32 $0x0  }
0x3: {  	s14 =	simm.s32 $0x6800;
	s15 =	simm.s32 $0x1;
	s8 =	sand.u32 $0x1, s1  }
0x4: {  	s28 =	sshll.u32 s0, $0x1;
	s1 =	rddreg [dreg:$0x2];
	s16 =	smul.u32 $0x2780, s0  }
0x5: {  	[smem:$0x7FF] =	sst s3;
	s10 =	smul.u32 $0x4F000, s0;
	s31 =	sshll.u32 s0, $0x6  }
0x6: {  	s4 =	sor.u32 s8, s28;
	_ =	strace $0x80000050;
	s7 =	smul.u32 $0x27800, s8  }
0x7: {  	s9 =	ssub.s32 $0x2, s8;
	p0 =	seq.s32 s8, $0x0;
	s8 =	simm.s32 $0x63  }
0x8: {  	s6 =	smul.u32 $0x680, s4;
	s4 =	sadd.s32 $0x37A00, s5;
	s11 =	sadd.s32 s16, s5  }
0x9: {  	s12 =	sshrl.u32 s9, $0x1;
	s29 =	sshrl.u32 s10, $0x2;
	s8 =	simm.s32 @!p0 $0x3A  }
0xa: {  	s10 =	simm.s32 $0x2;
	s13 =	sadd.s32 s7, s5;
	s9 =	ssub.s32 s9, s12  }
0xb: {  	s30 =	sadd.s32 s29, s2;
	s7 =	sadd.s32 $0x10200, s11;
	s11 =	sor.u32 $0x1C02, s31  }
0xc: {  	s6 =	sadd.s32 s6, s5;
	s17 =	sadd.s32 $0xA0A00, s13;
	s9 =	smax.u32 s9, $0x1  }
0xd: {  	s12 =	sshrl.u32 s30, $0x3;
	s13 =	simm.s32 $0x80;
	s5 =	sadd.s32 $0x86A00, s6  }
0xe: {  	s6 =	sadd.s32 $0x93A00, s6;
	s16 =	sadd.s32 s16, s17;
	s17 =	simm.s32 $0x0  }
.LBB2_1:
0xf: {  	[tilespmem:s3], [sflag:$0x2] =	stream.linear.gather [hbm4b:s5+s3], $0x3180, $0x38;
	[tilespmem:$0x1E400] =	vst v63  }
0x10: {  	_ =	swait.ge [sflag:s10], $0x3180  }
0x11: {  	[sflag:s10] =	ssyncset.done $0x0  }
0x12: {  	s18 =	simm.s32 $0x3400;
	[sflag:s10] =	ssyncadd.s32 $0xFFFFCE80  }
0x13: {  	[tilespmem:s18], [sflag:$0x2] =	stream.linear.gather [hbm4b:s6+s3], $0x3180, $0x38;
	[tilespmem:$0x1E400] =	vst v63  }
0x14: {  	_ =	swait.ge [sflag:s10], $0x3180  }
0x15: {  	[sflag:s10] =	ssyncset.done $0x0  }
0x16: {  	[sflag:s10] =	ssyncadd.s32 $0xFFFFCE80  }
0x17: {  	[spmem:s12], [sflag:s11] =	dma.local [hbm:s7], $0x2780  }
0x18: {  	_ =	swait.ge [sflag:s10], $0x2780  }
0x19: {  	[sflag:s10] =	ssyncset.done $0x0  }
0x1a: {  	[sflag:s10] =	ssyncadd.s32 $0xFFFFD880  }
0x1b: {  	[bflag:$0x0] =	sbarrier.arrive $0xFFFF  }
0x1c: {  	[tilespmem:s14], [sflag:$0x1] =	stream.indirect.gather [hbm4b:s4+s13], $0x80, s3, s13, $0xb8;
	[tilespmem:$0x1E400] =	vst v63  }
0x1d: {  	p0 =	sne.s32 s8, $0x1;
	_ =	swait.ge [sflag:s15], $0x4000  }
.Ltmp0:
0x1e: {  	[sflag:s15] =	ssyncset.done $0x0;
	(pc) =	sbr.rel @!p0 .LBB2_3-.Ltmp0, $4  }
0x1f: {  	[sflag:s15] =	ssyncadd.s32 $0xFFFFC000  }
0x20: {  	[spmem:s2] =	stream.indirect.scatter.add.f32 [tilespmem:s14], [sflag:$0x2], $0x80, s18, s13, $0xb8;
	[tilespmem:$0x1E400] =	vst v63  }
0x21: {  	_ =	swait.ge [sflag:s10], $0x4000  }
0x22: {  	s19 =	sadd.s32 $0xFFFFFFFF, s8;
	s20 =	simm.s32 $0x0;
	[sflag:s10] =	ssyncset.done $0x0  }
.LBB2_2:
0x23: {  	[sflag:s10] =	ssyncadd.s32 $0xFFFFC000;
	s20 =	sadd.s32 $0x80, s20;
	s18 =	sadd.s32 $0x80, s18  }
0x24: {  	[tilespmem:s14], [sflag:$0x1] =	stream.indirect.gather [hbm4b:s4+s13], $0x80, s20, s13, $0xb8;
	[tilespmem:$0x1E400] =	vst v63  }
0x25: {  	p0 =	sne.s32 s19, $0x1;
	s19 =	sadd.s32 $0xFFFFFFFF, s19;
	_ =	swait.ge [sflag:s15], $0x4000  }
.Ltmp1:
0x26: {  	[sflag:s15] =	ssyncset.done $0x0;
	(pc) =	sbr.rel @p0 .LBB2_2-.Ltmp1, $4  }
0x27: {  	[sflag:s15] =	ssyncadd.s32 $0xFFFFC000  }
0x28: {  	[spmem:s2] =	stream.indirect.scatter.add.f32 [tilespmem:s14], [sflag:$0x2], $0x80, s18, s13, $0xb8;
	[tilespmem:$0x1E400] =	vst v63  }
0x29: {  	_ =	swait.ge [sflag:s10], $0x4000  }
0x2a: {  	[sflag:s10] =	ssyncset.done $0x0  }
.LBB2_3:
0x2b: {  	s17 =	sadd.s32 $0x1, s17  }
0x2c: {  	[sflag:s10] =	ssyncadd.s32 $0xFFFFC000;
	p0 =	sne.s32 s17, s9  }
.Ltmp2:
0x2d: {  	[bflag:$0x0] =	sbarrier.arrive $0xFFFF;
	(pc) =	sbr.rel @p0 .LBB2_1-.Ltmp2, $4  }
0x2e: {  	[hbm:s16], [sflag:s11] =	dma.local [spmem:s12], $0x2780  }
0x2f: {  	_ =	swait.ge [sflag:s10], $0x2780  }
0x30: {  	[sflag:s10] =	ssyncset.done $0x0  }
0x31: {  	[sflag:s10] =	ssyncadd.s32 $0xFFFFD880  }
0x32: {  	_ =	sfence.sel $0x180000  }
0x33: {  	[bflag:$0x0] =	sbarrier.arrive $0xFFFF  }
0x34: {  	p0 =	sne.s32 s0, $0x0;
	_ =	strace $0x90000050  }
0x35: {  	s0 =	sadd.s32 @!p0 $0x100000, s1;
	[bflag:$0x2] =	sbarrier.arrive $0xFFFF  }
0x36: {  	[sflag:s0] =	ssyncadd.tile.s32 @!p0 $0x1;
	_ =	shalt  }
.Lfunc_end2:
_tile_overlayer_lowered:
.L_overlay_start_2:
0x37: {  	(tag) =	ssettag $0x2  }
0x38: {  	s0 =	rddreg [dreg:$0x0];
	s2 =	stileid.u32  }
0x39: {  	s1 =	rddreg [dreg:$0x1];
	p0 =	sne.s32 s2, $0x0  }
0x3a: {  	s3 =	rddreg [dreg:$0x2];
	[bflag:$0x3] =	sbarrier.arrive $0xFFFF;
	s2 =	simm.s32 @!p0 $0x1C02  }
0x3b: {  	[timem:s3], [sflag:s2] =	dma.local @!p0 [hbm:s0], s1  }
0x3c: {  	s0 =	simm.s32 @!p0 $0x2  }
0x3d: {  	_ =	swait.ge @!p0 [sflag:s0], s1  }
0x3e: {  	s1 =	ssub.s32 @!p0 $0x0, s1;
	[sflag:s0] =	ssyncset.done @!p0 $0x0  }
0x3f: {  	[sflag:s0] =	ssyncadd.s32 @!p0 s1  }
0x40: {  	[bflag:$0x3] =	sbarrier.arrive $0xFFFF  }
0x41: {  	_ =	shalt  }

</sc_bundles>
